<compile_context>
chip_gen: v7x
topology: tpu7x:2x2x1
jax: 0.10.2.dev20260603
libtpu: 0.0.44.dev20260713+nightly
codegen_flags: <defaults>
</compile_context>

<pallas_src>
import functools

import jax
import jax.numpy as jnp
from jax import lax
from jax.experimental import pallas as pl
from jax.experimental.pallas import tpu as pltpu
from jax.experimental.pallas import tpu_sc as plsc

D = 128
HD = D // 2
NE = 10000
NR = 256
E = 320000
NC = 2
NS = 16
CH = 128
CPT = 158
EPT = CH * CPT
EPAD = NS * EPT
ACC = 10112
PAD_DST = 10016
RPT = ACC // NS


@functools.partial(
    pl.kernel,
    mesh=plsc.VectorSubcoreMesh(core_axis_name="c", subcore_axis_name="s"),
    compiler_params=pltpu.CompilerParams(use_tc_tiling_on_sc=False,
                                         needs_layout_passes=False),
    out_type=(
        jax.ShapeDtypeStruct((NC, ACC, HD), jnp.float32),
        jax.ShapeDtypeStruct((NS, ACC), jnp.float32),
    ),
    scratch_types=[
        pltpu.VMEM((3, CH), jnp.int32),
        pltpu.VMEM((CH, HD), jnp.float32),
        pltpu.VMEM((CH, HD), jnp.float32),
        pltpu.VMEM((CH, HD), jnp.float32),
        pltpu.VMEM((ACC,), jnp.float32),
        pltpu.VMEM_SHARED((ACC, HD), jnp.float32),
        pltpu.VMEM_SHARED((NR, HD), jnp.float32),
        pltpu.SemaphoreType.DMA,
        pltpu.SemaphoreType.DMA,
    ],
)
def _sc_aggregate(xs_hbm, negrs_hbm, e_hbm,
                  sp_out, degp_out,
                  e_v, xrows, nrows, zbuf, deg_v,
                  acc, negr_sh, sem_x, sem_r):
    cid = lax.axis_index("c")
    sid = lax.axis_index("s")

    z16 = jnp.zeros((16,), jnp.float32)
    ones16 = jnp.ones((16,), jnp.float32)

    def zrow(i, carry):
        for k in range(HD // 16):
            zbuf[i, pl.ds(k * 16, 16)] = z16
        return carry
    lax.fori_loop(0, CH, zrow, 0)

    def zdeg(i, carry):
        deg_v[pl.ds(i * 16, 16)] = z16
        return carry
    lax.fori_loop(0, ACC // 16, zdeg, 0)

    base = sid * RPT
    off = 0
    rem = RPT
    while rem > 0:
        n = min(rem, CH)
        pltpu.sync_copy(zbuf.at[pl.ds(0, n)], acc.at[pl.ds(base + off, n)])
        off += n
        rem -= n

    @pl.when(sid == 0)
    def _():
        pltpu.sync_copy(negrs_hbm.at[cid], negr_sh)

    plsc.subcore_barrier()

    x_half = xs_hbm.at[cid]
    e_tile = e_hbm.at[sid]

    def ebody(j, carry):
        pltpu.sync_copy(e_tile.at[j], e_v)
        d1 = pltpu.async_copy(x_half.at[e_v.at[0]], xrows, sem_x)
        d2 = pltpu.async_copy(negr_sh.at[e_v.at[2]], nrows, sem_r)
        d1.wait()
        d2.wait()
        pltpu.sync_copy(xrows, acc.at[e_v.at[1]], add=True)
        pltpu.sync_copy(nrows, acc.at[e_v.at[1]], add=True)

        @pl.when(cid == 0)
        def _():
            for k in range(CH // 16):
                idx = e_v[1, pl.ds(k * 16, 16)]
                plsc.addupdate_scatter(deg_v, [idx], ones16)
        return carry
    lax.fori_loop(0, CPT, ebody, 0)

    plsc.subcore_barrier()

    pltpu.sync_copy(acc.at[pl.ds(base, RPT)], sp_out.at[cid, pl.ds(base, RPT)])

    @pl.when(cid == 0)
    def _():
        pltpu.sync_copy(deg_v, degp_out.at[sid])


def _ln(h, g, b, eps=1e-5):
    mu = jnp.mean(h, axis=-1, keepdims=True)
    var = jnp.mean((h - mu) ** 2, axis=-1, keepdims=True)
    return (h - mu) / jnp.sqrt(var + eps) * g + b


def _split(y, out_ref):
    out_ref[0] = y[:, :HD]
    out_ref[1] = y[:, HD:]


def _tc_rel_body(rel_ref, W1_ref, g1_ref, b1_ref, W2_ref, g2_ref, b2_ref,
                 r1_ref, n0_ref, n1_ref, r2_ref):
    rel = rel_ref[...]
    _split(-rel, n0_ref)
    h1 = jnp.dot(rel, W1_ref[...], preferred_element_type=jnp.float32)
    r1 = jnp.tanh(_ln(h1, g1_ref[...], b1_ref[...]))
    r1_ref[...] = r1
    _split(-r1, n1_ref)
    h2 = jnp.dot(r1, W2_ref[...], preferred_element_type=jnp.float32)
    r2_ref[...] = jnp.tanh(_ln(h2, g2_ref[...], b2_ref[...]))


def _tc_rel(rel_emb, Wrel1, g_rel1, b_rel1, Wrel2, g_rel2, b_rel2):
    return pl.pallas_call(
        _tc_rel_body,
        out_shape=[
            jax.ShapeDtypeStruct((NR, D), jnp.float32),
            jax.ShapeDtypeStruct((NC, NR, HD), jnp.float32),
            jax.ShapeDtypeStruct((NC, NR, HD), jnp.float32),
            jax.ShapeDtypeStruct((NR, D), jnp.float32),
        ],
    )(rel_emb, Wrel1, g_rel1.reshape(1, D), b_rel1.reshape(1, D),
      Wrel2, g_rel2.reshape(1, D), b_rel2.reshape(1, D))


XB = 1024


def _tc_x_body(sp_ref, deg_ref, time_ref, Wt_ref, bt_ref, gt_ref, btl_ref,
               W_ref, g_ref, b_ref, out_ref, outs_ref):
    t = jnp.dot(time_ref[...], Wt_ref[...],
                preferred_element_type=jnp.float32) + bt_ref[...]
    t = _ln(t, gt_ref[...], btl_ref[...])
    S = jnp.concatenate([sp_ref[0], sp_ref[1]], axis=-1)
    deg = jnp.sum(deg_ref[...], axis=0)
    degc = jnp.maximum(deg, 1.0)
    agg = (S + deg[:, None] * t) / degc[:, None]
    h = jnp.dot(agg, W_ref[...], preferred_element_type=jnp.float32)
    y = jnp.tanh(_ln(h, g_ref[...], b_ref[...]))
    out_ref[...] = y
    _split(y, outs_ref)


def _tc_x(sp, deg, time_emd, W_time, b_time, g_tln, b_tln, W, g, b):
    return pl.pallas_call(
        _tc_x_body,
        grid=(pl.cdiv(NE, XB),),
        in_specs=[
            pl.BlockSpec((NC, XB, HD), lambda i: (0, i, 0)),
            pl.BlockSpec((NS, XB), lambda i: (0, i)),
            pl.BlockSpec((1, D), lambda i: (0, 0)),
            pl.BlockSpec((D, D), lambda i: (0, 0)),
            pl.BlockSpec((1, D), lambda i: (0, 0)),
            pl.BlockSpec((1, D), lambda i: (0, 0)),
            pl.BlockSpec((1, D), lambda i: (0, 0)),
            pl.BlockSpec((D, D), lambda i: (0, 0)),
            pl.BlockSpec((1, D), lambda i: (0, 0)),
            pl.BlockSpec((1, D), lambda i: (0, 0)),
        ],
        out_specs=[
            pl.BlockSpec((XB, D), lambda i: (i, 0)),
            pl.BlockSpec((NC, XB, HD), lambda i: (0, i, 0)),
        ],
        out_shape=[
            jax.ShapeDtypeStruct((NE, D), jnp.float32),
            jax.ShapeDtypeStruct((NC, NE, HD), jnp.float32),
        ],
    )(sp, deg, time_emd.reshape(1, D), W_time, b_time.reshape(1, D),
      g_tln.reshape(1, D), b_tln.reshape(1, D), W, g.reshape(1, D),
      b.reshape(1, D))


def kernel(ent_emb, rel_emb, time_emd, edge_index, edge_type,
           W_time, b_time, g_time_ln, b_time_ln,
           W1, Wrel1, g_ent1, b_ent1, g_rel1, b_rel1,
           W2, Wrel2, g_ent2, b_ent2, g_rel2, b_rel2):
    src = edge_index[0].astype(jnp.int32)
    dst = edge_index[1].astype(jnp.int32)
    et = edge_type.astype(jnp.int32)
    pad = EPAD - E
    srcp = jnp.pad(src, (0, pad)).reshape(NS, CPT, CH)
    dstp = jnp.pad(dst, (0, pad), constant_values=PAD_DST).reshape(NS, CPT, CH)
    etp = jnp.pad(et, (0, pad)).reshape(NS, CPT, CH)
    edges = jnp.stack([srcp, dstp, etp], axis=2)

    r1, negr0s, negr1s, r2 = _tc_rel(rel_emb, Wrel1, g_rel1, b_rel1,
                                     Wrel2, g_rel2, b_rel2)

    xs0 = jnp.stack([ent_emb[:, :HD], ent_emb[:, HD:]])
    sp1, degp = _sc_aggregate(xs0, negr0s, edges)
    x1, xs1 = _tc_x(sp1, degp, time_emd, W_time, b_time, g_time_ln, b_time_ln,
                    W1, g_ent1, b_ent1)
    sp2, _ = _sc_aggregate(xs1, negr1s, edges)
    x2, _ = _tc_x(sp2, degp, time_emd, W_time, b_time, g_time_ln, b_time_ln,
                  W2, g_ent2, b_ent2)
    return (x2, r2)

# --- scband reference (transcript-rebuilt; emitter-appended) ---
"""Pipeline reference for scband-tgcn-28458453303302 (READ-ONLY COPY).

The authoritative reference and input builder live on the scoring server;
editing this copy changes nothing except your own understanding.
"""

import jax, jax.numpy as jnp
import numpy as np

NUM_ENT = 10000
NUM_REL = 256
NUM_EDGES = 320000
GCN_DIM = 128
INPUT_DIM = 128


def layer_norm(x, g, b, eps=1e-5):
    mu = jnp.mean(x, axis=-1, keepdims=True)
    var = jnp.mean((x - mu) ** 2, axis=-1, keepdims=True)
    return (x - mu) / jnp.sqrt(var + eps) * g + b


def comp_gcn_conv(edge_index, edge_type, x, r, time_emd, W, W_rel):
    # CompGCN-style conv: compose source entity with relation (subtraction comp)
    # plus time embedding, aggregate by destination node (scatter-add / segment_sum),
    # then linear transform. Relations get their own linear update.
    src = edge_index[0]
    dst = edge_index[1]
    msg = x[src] - r[edge_type] + time_emd[None, :]
    deg = jax.ops.segment_sum(jnp.ones((edge_index.shape[1],), x.dtype), dst, num_segments=x.shape[0])
    agg = jax.ops.segment_sum(msg, dst, num_segments=x.shape[0])
    agg = agg / jnp.clip(deg, 1.0, None)[:, None]
    x_out = agg @ W
    r_out = r @ W_rel
    return x_out, r_out


def setup_inputs(seed: int = 0) -> dict:
    key = jax.random.key(seed)
    ks = jax.random.split(key, 20)
    s = 0.05
    inp = {
        'ent_emb': jax.random.normal(ks[0], (NUM_ENT, GCN_DIM), jnp.float32),
        'rel_emb': jax.random.normal(ks[1], (NUM_REL, GCN_DIM), jnp.float32),
        'time_emd': jax.random.normal(ks[2], (INPUT_DIM,), jnp.float32),
        'edge_index': jax.random.randint(ks[3], (2, NUM_EDGES), 0, NUM_ENT, dtype=jnp.int64) if jax.config.jax_enable_x64 else jax.random.randint(ks[3], (2, NUM_EDGES), 0, NUM_ENT),
        'edge_type': jax.random.randint(ks[4], (NUM_EDGES,), 0, NUM_REL),
        # lin_time
        'W_time': jax.random.normal(ks[5], (INPUT_DIM, GCN_DIM), jnp.float32) * s,
        'b_time': jnp.zeros((GCN_DIM,), jnp.float32),
        'g_time_ln': jnp.ones((GCN_DIM,), jnp.float32),
        'b_time_ln': jnp.zeros((GCN_DIM,), jnp.float32),
        # conv1
        'W1': jax.random.normal(ks[6], (GCN_DIM, GCN_DIM), jnp.float32) * s,
        'Wrel1': jax.random.normal(ks[7], (GCN_DIM, GCN_DIM), jnp.float32) * s,
        'g_ent1': jnp.ones((GCN_DIM,), jnp.float32),
        'b_ent1': jnp.zeros((GCN_DIM,), jnp.float32),
        'g_rel1': jnp.ones((GCN_DIM,), jnp.float32),
        'b_rel1': jnp.zeros((GCN_DIM,), jnp.float32),
        # conv2
        'W2': jax.random.normal(ks[8], (GCN_DIM, GCN_DIM), jnp.float32) * s,
        'Wrel2': jax.random.normal(ks[9], (GCN_DIM, GCN_DIM), jnp.float32) * s,
        'g_ent2': jnp.ones((GCN_DIM,), jnp.float32),
        'b_ent2': jnp.zeros((GCN_DIM,), jnp.float32),
        'g_rel2': jnp.ones((GCN_DIM,), jnp.float32),
        'b_rel2': jnp.zeros((GCN_DIM,), jnp.float32),
    }
    return inp


def reference(ent_emb, rel_emb, time_emd, edge_index, edge_type,
              W_time, b_time, g_time_ln, b_time_ln,
              W1, Wrel1, g_ent1, b_ent1, g_rel1, b_rel1,
              W2, Wrel2, g_ent2, b_ent2, g_rel2, b_rel2):
    # TGCN.forward (eval mode: dropout = identity), act = tanh
    t = time_emd @ W_time + b_time
    t = layer_norm(t, g_time_ln, b_time_ln)
    x, r = comp_gcn_conv(edge_index, edge_type, ent_emb, rel_emb, t, W1, Wrel1)
    x = jnp.tanh(layer_norm(x, g_ent1, b_ent1))
    r = jnp.tanh(layer_norm(r, g_rel1, b_rel1))
    x, r = comp_gcn_conv(edge_index, edge_type, x, r, t, W2, Wrel2)
    x = jnp.tanh(layer_norm(x, g_ent2, b_ent2))
    r = jnp.tanh(layer_norm(r, g_rel2, b_rel2))
    return (x, r)

if __name__ == "__main__":
    import jax
    _d = setup_inputs()
    print(jax.jit(kernel)(*tuple(_d.values())))

</pallas_src>

<mosaic_0001>
#map = affine_map<(d0, d1) -> (0, 0, 0)>
#map1 = affine_map<(d0, d1) -> (0, 0, 0, 0)>
#map2 = affine_map<(d0, d1) -> (0, 0)>
module attributes {stable_mosaic.version = 14 : i64} {
  func.func @_sc_aggregate(%arg0: i32, %arg1: i32, %arg2: memref<2x10000x64xf32, #tpu.memory_space<hbm>>, %arg3: memref<2x256x64xf32, #tpu.memory_space<hbm>>, %arg4: memref<16x158x3x128xi32, #tpu.memory_space<hbm>>, %arg5: memref<2x10112x64xf32, #tpu.memory_space<hbm>>, %arg6: memref<16x10112xf32, #tpu.memory_space<hbm>>, %arg7: memref<3x128xi32, #tpu.memory_space<vmem>>, %arg8: memref<128x64xf32, #tpu.memory_space<vmem>>, %arg9: memref<128x64xf32, #tpu.memory_space<vmem>>, %arg10: memref<128x64xf32, #tpu.memory_space<vmem>>, %arg11: memref<10112xf32, #tpu.memory_space<vmem>>, %arg12: memref<10112x64xf32, #tpu.memory_space<vmem_shared>>, %arg13: memref<256x64xf32, #tpu.memory_space<vmem_shared>>, %arg14: memref<!tpu.dma_semaphore, #tpu.memory_space<semaphore_mem>>, %arg15: memref<!tpu.dma_semaphore, #tpu.memory_space<semaphore_mem>>) attributes {dimension_semantics = [#tpu.dimension_semantics<core_parallel>, #tpu.dimension_semantics<subcore_parallel>], iteration_bounds = array<i64: 2, 16>, scalar_prefetch = 0 : i64, scratch_operands = 9 : i64, tpu.core_type = #tpu.core_type<sc_vector_subcore>, window_params = [{transform_indices = #map}, {transform_indices = #map}, {transform_indices = #map1}, {transform_indices = #map}, {transform_indices = #map2}]} {
    %broadcast_in_dim3A = arith.constant 0.000000e+00 : f32
    %broadcast_in_dim3A_0 = vector.broadcast %broadcast_in_dim3A : f32 to vector<16xf32>
    %broadcast_in_dim3A_1 = arith.constant 1.000000e+00 : f32
    %broadcast_in_dim3A_2 = vector.broadcast %broadcast_in_dim3A_1 : f32 to vector<16xf32>
    %scan3A = arith.constant 0 : i32
    %scan3A_3 = arith.constant 0 : i32
    %scan3A_4 = arith.constant 128 : i32
    %scan3A_5 = arith.addi %scan3A_3, %scan3A_4 : i32
    %scan3A_6 = arith.constant 1 : i32
    scf.for %scan3A_38 = %scan3A_3 to %scan3A_5 step %scan3A_6  : i32 {
      %swap3A = arith.index_cast %scan3A_38 : i32 to index
      %swap3A_39 = arith.constant 0 : index
      %swap3A_40 = tpu.vector_load %arg10[%swap3A, %swap3A_39] {strides = array<i32>} : memref<128x64xf32, #tpu.memory_space<vmem>>, vector<16xf32>,
      tpu.vector_store %arg10[%swap3A, %swap3A_39], %broadcast_in_dim3A_0 {strides = array<i32>} : memref<128x64xf32, #tpu.memory_space<vmem>>, vector<16xf32>,
      %swap3A_41 = arith.index_cast %scan3A_38 : i32 to index
      %swap3A_42 = arith.constant 16 : index
      %swap3A_43 = tpu.vector_load %arg10[%swap3A_41, %swap3A_42] {strides = array<i32>} : memref<128x64xf32, #tpu.memory_space<vmem>>, vector<16xf32>,
      tpu.vector_store %arg10[%swap3A_41, %swap3A_42], %broadcast_in_dim3A_0 {strides = array<i32>} : memref<128x64xf32, #tpu.memory_space<vmem>>, vector<16xf32>,
      %swap3A_44 = arith.index_cast %scan3A_38 : i32 to index
      %swap3A_45 = arith.constant 32 : index
      %swap3A_46 = tpu.vector_load %arg10[%swap3A_44, %swap3A_45] {strides = array<i32>} : memref<128x64xf32, #tpu.memory_space<vmem>>, vector<16xf32>,
      tpu.vector_store %arg10[%swap3A_44, %swap3A_45], %broadcast_in_dim3A_0 {strides = array<i32>} : memref<128x64xf32, #tpu.memory_space<vmem>>, vector<16xf32>,
      %swap3A_47 = arith.index_cast %scan3A_38 : i32 to index
      %swap3A_48 = arith.constant 48 : index
      %swap3A_49 = tpu.vector_load %arg10[%swap3A_47, %swap3A_48] {strides = array<i32>} : memref<128x64xf32, #tpu.memory_space<vmem>>, vector<16xf32>,
      tpu.vector_store %arg10[%swap3A_47, %swap3A_48], %broadcast_in_dim3A_0 {strides = array<i32>} : memref<128x64xf32, #tpu.memory_space<vmem>>, vector<16xf32>,
    }
    %scan3A_7 = arith.constant 128 : i32
    %scan3A_8 = arith.constant 0 : i32
    %scan3A_9 = arith.constant 0 : i32
    %scan3A_10 = arith.constant 632 : i32
    %scan3A_11 = arith.addi %scan3A_9, %scan3A_10 : i32
    %scan3A_12 = arith.constant 1 : i32
    scf.for %scan3A_38 = %scan3A_9 to %scan3A_11 step %scan3A_12  : i32 {
      %mul3A_39 = arith.constant 16 : i32
      %mul3A_40 = arith.muli %scan3A_38, %mul3A_39 : i32
      %swap3A = arith.index_cast %mul3A_40 : i32 to index
      %swap3A_41 = tpu.vector_load %arg11[%swap3A] {strides = array<i32>} : memref<10112xf32, #tpu.memory_space<vmem>>, vector<16xf32>,
      tpu.vector_store %arg11[%swap3A], %broadcast_in_dim3A_0 {strides = array<i32>} : memref<10112xf32, #tpu.memory_space<vmem>>, vector<16xf32>,
    }
    %scan3A_13 = arith.constant 632 : i32
    %mul3A = arith.constant 632 : i32
    %mul3A_14 = arith.muli %arg1, %mul3A : i32
    %add3A = arith.constant 0 : i32
    %add3A_15 = arith.addi %mul3A_14, %add3A : i32
    "tpu.region"() ({
      %run_scoped3A = tpu.sem_alloc : memref<!tpu.dma_semaphore, #tpu.memory_space<semaphore_mem>>
      %dma_start3A = arith.constant 0 : i32
      %dma_start3A_38 = arith.constant 0 : i32
      %dma_start3A_39 = tpu.memref_slice %arg10[%dma_start3A, %dma_start3A_38] : memref<128x64xf32, #tpu.memory_space<vmem>> -> memref<128x64xf32, #tpu.memory_space<vmem>>
      %dma_start3A_40 = arith.constant 0 : i32
      %dma_start3A_41 = tpu.memref_slice %arg12[%add3A_15, %dma_start3A_40] : memref<10112x64xf32, #tpu.memory_space<vmem_shared>> -> memref<128x64xf32, #tpu.memory_space<vmem_shared>>
      %dma_start3A_42 = arith.constant 0 : i32
      %dma_start3A_43 = tpu.memref_slice %arg12[%add3A_15, %dma_start3A_42] : memref<10112x64xf32, #tpu.memory_space<vmem_shared>> -> memref<128x64xf32, #tpu.memory_space<vmem_shared>>
      %dma_start3A_44 = arith.constant 0 : i32
      %dma_start3A_45 = arith.constant 0 : i32
      %dma_start3A_46 = tpu.memref_slice %arg10[%dma_start3A_44, %dma_start3A_45] : memref<128x64xf32, #tpu.memory_space<vmem>> -> memref<128x64xf32, #tpu.memory_space<vmem>>
      tpu.enqueue_dma source(%dma_start3A_46 : memref<128x64xf32, #tpu.memory_space<vmem>>) target(%dma_start3A_43 : memref<128x64xf32, #tpu.memory_space<vmem_shared>>) target_semaphore(%run_scoped3A : memref<!tpu.dma_semaphore, #tpu.memory_space<semaphore_mem>>)
      %dma_wait3A = arith.constant 0 : i32
      %dma_wait3A_47 = arith.constant 0 : i32
      %dma_wait3A_48 = tpu.memref_slice %arg10[%dma_wait3A, %dma_wait3A_47] : memref<128x64xf32, #tpu.memory_space<vmem>> -> memref<128x64xf32, #tpu.memory_space<vmem>>
      %dma_wait3A_49 = arith.constant 0 : i32
      %dma_wait3A_50 = tpu.memref_slice %arg12[%add3A_15, %dma_wait3A_49] : memref<10112x64xf32, #tpu.memory_space<vmem_shared>> -> memref<128x64xf32, #tpu.memory_space<vmem_shared>>
      %dma_wait3A_51 = arith.constant 0 : i32
      %dma_wait3A_52 = tpu.memref_slice %arg12[%add3A_15, %dma_wait3A_51] : memref<10112x64xf32, #tpu.memory_space<vmem_shared>> -> memref<128x64xf32, #tpu.memory_space<vmem_shared>>
      %dma_wait3A_53 = arith.constant 0 : i32
      %dma_wait3A_54 = arith.constant 0 : i32
      %dma_wait3A_55 = tpu.memref_slice %arg10[%dma_wait3A_53, %dma_wait3A_54] : memref<128x64xf32, #tpu.memory_space<vmem>> -> memref<128x64xf32, #tpu.memory_space<vmem>>
      tpu.wait_dma2 semaphore(%run_scoped3A : memref<!tpu.dma_semaphore, #tpu.memory_space<semaphore_mem>>) src(%dma_wait3A_55 : memref<128x64xf32, #tpu.memory_space<vmem>>) dst(%dma_wait3A_52 : memref<128x64xf32, #tpu.memory_space<vmem_shared>>)
      tpu.yield
    }) : () -> ()
    %add3A_16 = arith.constant 128 : i32
    %add3A_17 = arith.addi %mul3A_14, %add3A_16 : i32
    "tpu.region"() ({
      %run_scoped3A = tpu.sem_alloc : memref<!tpu.dma_semaphore, #tpu.memory_space<semaphore_mem>>
      %dma_start3A = arith.constant 0 : i32
      %dma_start3A_38 = arith.constant 0 : i32
      %dma_start3A_39 = tpu.memref_slice %arg10[%dma_start3A, %dma_start3A_38] : memref<128x64xf32, #tpu.memory_space<vmem>> -> memref<128x64xf32, #tpu.memory_space<vmem>>
      %dma_start3A_40 = arith.constant 0 : i32
      %dma_start3A_41 = tpu.memref_slice %arg12[%add3A_17, %dma_start3A_40] : memref<10112x64xf32, #tpu.memory_space<vmem_shared>> -> memref<128x64xf32, #tpu.memory_space<vmem_shared>>
      %dma_start3A_42 = arith.constant 0 : i32
      %dma_start3A_43 = tpu.memref_slice %arg12[%add3A_17, %dma_start3A_42] : memref<10112x64xf32, #tpu.memory_space<vmem_shared>> -> memref<128x64xf32, #tpu.memory_space<vmem_shared>>
      %dma_start3A_44 = arith.constant 0 : i32
      %dma_start3A_45 = arith.constant 0 : i32
      %dma_start3A_46 = tpu.memref_slice %arg10[%dma_start3A_44, %dma_start3A_45] : memref<128x64xf32, #tpu.memory_space<vmem>> -> memref<128x64xf32, #tpu.memory_space<vmem>>
      tpu.enqueue_dma source(%dma_start3A_46 : memref<128x64xf32, #tpu.memory_space<vmem>>) target(%dma_start3A_43 : memref<128x64xf32, #tpu.memory_space<vmem_shared>>) target_semaphore(%run_scoped3A : memref<!tpu.dma_semaphore, #tpu.memory_space<semaphore_mem>>)
      %dma_wait3A = arith.constant 0 : i32
      %dma_wait3A_47 = arith.constant 0 : i32
      %dma_wait3A_48 = tpu.memref_slice %arg10[%dma_wait3A, %dma_wait3A_47] : memref<128x64xf32, #tpu.memory_space<vmem>> -> memref<128x64xf32, #tpu.memory_space<vmem>>
      %dma_wait3A_49 = arith.constant 0 : i32
      %dma_wait3A_50 = tpu.memref_slice %arg12[%add3A_17, %dma_wait3A_49] : memref<10112x64xf32, #tpu.memory_space<vmem_shared>> -> memref<128x64xf32, #tpu.memory_space<vmem_shared>>
      %dma_wait3A_51 = arith.constant 0 : i32
      %dma_wait3A_52 = tpu.memref_slice %arg12[%add3A_17, %dma_wait3A_51] : memref<10112x64xf32, #tpu.memory_space<vmem_shared>> -> memref<128x64xf32, #tpu.memory_space<vmem_shared>>
      %dma_wait3A_53 = arith.constant 0 : i32
      %dma_wait3A_54 = arith.constant 0 : i32
      %dma_wait3A_55 = tpu.memref_slice %arg10[%dma_wait3A_53, %dma_wait3A_54] : memref<128x64xf32, #tpu.memory_space<vmem>> -> memref<128x64xf32, #tpu.memory_space<vmem>>
      tpu.wait_dma2 semaphore(%run_scoped3A : memref<!tpu.dma_semaphore, #tpu.memory_space<semaphore_mem>>) src(%dma_wait3A_55 : memref<128x64xf32, #tpu.memory_space<vmem>>) dst(%dma_wait3A_52 : memref<128x64xf32, #tpu.memory_space<vmem_shared>>)
      tpu.yield
    }) : () -> ()
    %add3A_18 = arith.constant 256 : i32
    %add3A_19 = arith.addi %mul3A_14, %add3A_18 : i32
    "tpu.region"() ({
      %run_scoped3A = tpu.sem_alloc : memref<!tpu.dma_semaphore, #tpu.memory_space<semaphore_mem>>
      %dma_start3A = arith.constant 0 : i32
      %dma_start3A_38 = arith.constant 0 : i32
      %dma_start3A_39 = tpu.memref_slice %arg10[%dma_start3A, %dma_start3A_38] : memref<128x64xf32, #tpu.memory_space<vmem>> -> memref<128x64xf32, #tpu.memory_space<vmem>>
      %dma_start3A_40 = arith.constant 0 : i32
      %dma_start3A_41 = tpu.memref_slice %arg12[%add3A_19, %dma_start3A_40] : memref<10112x64xf32, #tpu.memory_space<vmem_shared>> -> memref<128x64xf32, #tpu.memory_space<vmem_shared>>
      %dma_start3A_42 = arith.constant 0 : i32
      %dma_start3A_43 = tpu.memref_slice %arg12[%add3A_19, %dma_start3A_42] : memref<10112x64xf32, #tpu.memory_space<vmem_shared>> -> memref<128x64xf32, #tpu.memory_space<vmem_shared>>
      %dma_start3A_44 = arith.constant 0 : i32
      %dma_start3A_45 = arith.constant 0 : i32
      %dma_start3A_46 = tpu.memref_slice %arg10[%dma_start3A_44, %dma_start3A_45] : memref<128x64xf32, #tpu.memory_space<vmem>> -> memref<128x64xf32, #tpu.memory_space<vmem>>
      tpu.enqueue_dma source(%dma_start3A_46 : memref<128x64xf32, #tpu.memory_space<vmem>>) target(%dma_start3A_43 : memref<128x64xf32, #tpu.memory_space<vmem_shared>>) target_semaphore(%run_scoped3A : memref<!tpu.dma_semaphore, #tpu.memory_space<semaphore_mem>>)
      %dma_wait3A = arith.constant 0 : i32
      %dma_wait3A_47 = arith.constant 0 : i32
      %dma_wait3A_48 = tpu.memref_slice %arg10[%dma_wait3A, %dma_wait3A_47] : memref<128x64xf32, #tpu.memory_space<vmem>> -> memref<128x64xf32, #tpu.memory_space<vmem>>
      %dma_wait3A_49 = arith.constant 0 : i32
      %dma_wait3A_50 = tpu.memref_slice %arg12[%add3A_19, %dma_wait3A_49] : memref<10112x64xf32, #tpu.memory_space<vmem_shared>> -> memref<128x64xf32, #tpu.memory_space<vmem_shared>>
      %dma_wait3A_51 = arith.constant 0 : i32
      %dma_wait3A_52 = tpu.memref_slice %arg12[%add3A_19, %dma_wait3A_51] : memref<10112x64xf32, #tpu.memory_space<vmem_shared>> -> memref<128x64xf32, #tpu.memory_space<vmem_shared>>
      %dma_wait3A_53 = arith.constant 0 : i32
      %dma_wait3A_54 = arith.constant 0 : i32
      %dma_wait3A_55 = tpu.memref_slice %arg10[%dma_wait3A_53, %dma_wait3A_54] : memref<128x64xf32, #tpu.memory_space<vmem>> -> memref<128x64xf32, #tpu.memory_space<vmem>>
      tpu.wait_dma2 semaphore(%run_scoped3A : memref<!tpu.dma_semaphore, #tpu.memory_space<semaphore_mem>>) src(%dma_wait3A_55 : memref<128x64xf32, #tpu.memory_space<vmem>>) dst(%dma_wait3A_52 : memref<128x64xf32, #tpu.memory_space<vmem_shared>>)
      tpu.yield
    }) : () -> ()
    %add3A_20 = arith.constant 384 : i32
    %add3A_21 = arith.addi %mul3A_14, %add3A_20 : i32
    "tpu.region"() ({
      %run_scoped3A = tpu.sem_alloc : memref<!tpu.dma_semaphore, #tpu.memory_space<semaphore_mem>>
      %dma_start3A = arith.constant 0 : i32
      %dma_start3A_38 = arith.constant 0 : i32
      %dma_start3A_39 = tpu.memref_slice %arg10[%dma_start3A, %dma_start3A_38] : memref<128x64xf32, #tpu.memory_space<vmem>> -> memref<128x64xf32, #tpu.memory_space<vmem>>
      %dma_start3A_40 = arith.constant 0 : i32
      %dma_start3A_41 = tpu.memref_slice %arg12[%add3A_21, %dma_start3A_40] : memref<10112x64xf32, #tpu.memory_space<vmem_shared>> -> memref<128x64xf32, #tpu.memory_space<vmem_shared>>
      %dma_start3A_42 = arith.constant 0 : i32
      %dma_start3A_43 = tpu.memref_slice %arg12[%add3A_21, %dma_start3A_42] : memref<10112x64xf32, #tpu.memory_space<vmem_shared>> -> memref<128x64xf32, #tpu.memory_space<vmem_shared>>
      %dma_start3A_44 = arith.constant 0 : i32
      %dma_start3A_45 = arith.constant 0 : i32
      %dma_start3A_46 = tpu.memref_slice %arg10[%dma_start3A_44, %dma_start3A_45] : memref<128x64xf32, #tpu.memory_space<vmem>> -> memref<128x64xf32, #tpu.memory_space<vmem>>
      tpu.enqueue_dma source(%dma_start3A_46 : memref<128x64xf32, #tpu.memory_space<vmem>>) target(%dma_start3A_43 : memref<128x64xf32, #tpu.memory_space<vmem_shared>>) target_semaphore(%run_scoped3A : memref<!tpu.dma_semaphore, #tpu.memory_space<semaphore_mem>>)
      %dma_wait3A = arith.constant 0 : i32
      %dma_wait3A_47 = arith.constant 0 : i32
      %dma_wait3A_48 = tpu.memref_slice %arg10[%dma_wait3A, %dma_wait3A_47] : memref<128x64xf32, #tpu.memory_space<vmem>> -> memref<128x64xf32, #tpu.memory_space<vmem>>
      %dma_wait3A_49 = arith.constant 0 : i32
      %dma_wait3A_50 = tpu.memref_slice %arg12[%add3A_21, %dma_wait3A_49] : memref<10112x64xf32, #tpu.memory_space<vmem_shared>> -> memref<128x64xf32, #tpu.memory_space<vmem_shared>>
      %dma_wait3A_51 = arith.constant 0 : i32
      %dma_wait3A_52 = tpu.memref_slice %arg12[%add3A_21, %dma_wait3A_51] : memref<10112x64xf32, #tpu.memory_space<vmem_shared>> -> memref<128x64xf32, #tpu.memory_space<vmem_shared>>
      %dma_wait3A_53 = arith.constant 0 : i32
      %dma_wait3A_54 = arith.constant 0 : i32
      %dma_wait3A_55 = tpu.memref_slice %arg10[%dma_wait3A_53, %dma_wait3A_54] : memref<128x64xf32, #tpu.memory_space<vmem>> -> memref<128x64xf32, #tpu.memory_space<vmem>>
      tpu.wait_dma2 semaphore(%run_scoped3A : memref<!tpu.dma_semaphore, #tpu.memory_space<semaphore_mem>>) src(%dma_wait3A_55 : memref<128x64xf32, #tpu.memory_space<vmem>>) dst(%dma_wait3A_52 : memref<128x64xf32, #tpu.memory_space<vmem_shared>>)
      tpu.yield
    }) : () -> ()
    %add3A_22 = arith.constant 512 : i32
    %add3A_23 = arith.addi %mul3A_14, %add3A_22 : i32
    "tpu.region"() ({
      %run_scoped3A = tpu.sem_alloc : memref<!tpu.dma_semaphore, #tpu.memory_space<semaphore_mem>>
      %dma_start3A = arith.constant 0 : i32
      %dma_start3A_38 = arith.constant 0 : i32
      %dma_start3A_39 = tpu.memref_slice %arg10[%dma_start3A, %dma_start3A_38] : memref<128x64xf32, #tpu.memory_space<vmem>> -> memref<120x64xf32, #tpu.memory_space<vmem>>
      %dma_start3A_40 = arith.constant 0 : i32
      %dma_start3A_41 = tpu.memref_slice %arg12[%add3A_23, %dma_start3A_40] : memref<10112x64xf32, #tpu.memory_space<vmem_shared>> -> memref<120x64xf32, #tpu.memory_space<vmem_shared>>
      %dma_start3A_42 = arith.constant 0 : i32
      %dma_start3A_43 = tpu.memref_slice %arg12[%add3A_23, %dma_start3A_42] : memref<10112x64xf32, #tpu.memory_space<vmem_shared>> -> memref<120x64xf32, #tpu.memory_space<vmem_shared>>
      %dma_start3A_44 = arith.constant 0 : i32
      %dma_start3A_45 = arith.constant 0 : i32
      %dma_start3A_46 = tpu.memref_slice %arg10[%dma_start3A_44, %dma_start3A_45] : memref<128x64xf32, #tpu.memory_space<vmem>> -> memref<120x64xf32, #tpu.memory_space<vmem>>
      tpu.enqueue_dma source(%dma_start3A_46 : memref<120x64xf32, #tpu.memory_space<vmem>>) target(%dma_start3A_43 : memref<120x64xf32, #tpu.memory_space<vmem_shared>>) target_semaphore(%run_scoped3A : memref<!tpu.dma_semaphore, #tpu.memory_space<semaphore_mem>>)
      %dma_wait3A = arith.constant 0 : i32
      %dma_wait3A_47 = arith.constant 0 : i32
      %dma_wait3A_48 = tpu.memref_slice %arg10[%dma_wait3A, %dma_wait3A_47] : memref<128x64xf32, #tpu.memory_space<vmem>> -> memref<120x64xf32, #tpu.memory_space<vmem>>
      %dma_wait3A_49 = arith.constant 0 : i32
      %dma_wait3A_50 = tpu.memref_slice %arg12[%add3A_23, %dma_wait3A_49] : memref<10112x64xf32, #tpu.memory_space<vmem_shared>> -> memref<120x64xf32, #tpu.memory_space<vmem_shared>>
      %dma_wait3A_51 = arith.constant 0 : i32
      %dma_wait3A_52 = tpu.memref_slice %arg12[%add3A_23, %dma_wait3A_51] : memref<10112x64xf32, #tpu.memory_space<vmem_shared>> -> memref<120x64xf32, #tpu.memory_space<vmem_shared>>
      %dma_wait3A_53 = arith.constant 0 : i32
      %dma_wait3A_54 = arith.constant 0 : i32
      %dma_wait3A_55 = tpu.memref_slice %arg10[%dma_wait3A_53, %dma_wait3A_54] : memref<128x64xf32, #tpu.memory_space<vmem>> -> memref<120x64xf32, #tpu.memory_space<vmem>>
      tpu.wait_dma2 semaphore(%run_scoped3A : memref<!tpu.dma_semaphore, #tpu.memory_space<semaphore_mem>>) src(%dma_wait3A_55 : memref<120x64xf32, #tpu.memory_space<vmem>>) dst(%dma_wait3A_52 : memref<120x64xf32, #tpu.memory_space<vmem_shared>>)
      tpu.yield
    }) : () -> ()
    %eq3A = arith.constant 0 : i32
    %eq3A_24 = arith.cmpi eq, %arg1, %eq3A : i32
    %convert_element_type3A = arith.extui %eq3A_24 : i1 to i32
    %cond3A = arith.constant 0 : i32
    %cond3A_25 = arith.cmpi ne, %convert_element_type3A, %cond3A : i32
    scf.if %cond3A_25 {
      "tpu.region"() ({
        %run_scoped3A = tpu.sem_alloc : memref<!tpu.dma_semaphore, #tpu.memory_space<semaphore_mem>>
        %dma_start3A = arith.constant 0 : i32
        %dma_start3A_38 = arith.constant 0 : i32
        %dma_start3A_39 = tpu.memref_slice %arg3[%arg0, %dma_start3A, %dma_start3A_38] : memref<2x256x64xf32, #tpu.memory_space<hbm>> -> memref<1x256x64xf32, #tpu.memory_space<hbm>>
        %dma_start3A_40 = tpu.memref_squeeze %dma_start3A_39 : memref<1x256x64xf32, #tpu.memory_space<hbm>> -> memref<256x64xf32, #tpu.memory_space<hbm>>
        tpu.enqueue_dma source(%dma_start3A_40 : memref<256x64xf32, #tpu.memory_space<hbm>>) target(%arg13 : memref<256x64xf32, #tpu.memory_space<vmem_shared>>) target_semaphore(%run_scoped3A : memref<!tpu.dma_semaphore, #tpu.memory_space<semaphore_mem>>)
        %dma_wait3A = arith.constant 0 : i32
        %dma_wait3A_41 = arith.constant 0 : i32
        %dma_wait3A_42 = tpu.memref_slice %arg3[%arg0, %dma_wait3A, %dma_wait3A_41] : memref<2x256x64xf32, #tpu.memory_space<hbm>> -> memref<1x256x64xf32, #tpu.memory_space<hbm>>
        %dma_wait3A_43 = tpu.memref_squeeze %dma_wait3A_42 : memref<1x256x64xf32, #tpu.memory_space<hbm>> -> memref<256x64xf32, #tpu.memory_space<hbm>>
        tpu.wait_dma2 semaphore(%run_scoped3A : memref<!tpu.dma_semaphore, #tpu.memory_space<semaphore_mem>>) src(%dma_wait3A_43 : memref<256x64xf32, #tpu.memory_space<hbm>>) dst(%arg13 : memref<256x64xf32, #tpu.memory_space<vmem_shared>>)
        tpu.yield
      }) : () -> ()
    } else {
    }
    %barrier3A = arith.constant 0 : index
    tpu.barrier barrier_id(%barrier3A)
    %scan3A_26 = arith.constant 0 : i32
    %scan3A_27 = arith.constant 0 : i32
    %scan3A_28 = arith.constant 158 : i32
    %scan3A_29 = arith.addi %scan3A_27, %scan3A_28 : i32
    %scan3A_30 = arith.constant 1 : i32
    scf.for %scan3A_38 = %scan3A_27 to %scan3A_29 step %scan3A_30  : i32 {
      "tpu.region"() ({
        %run_scoped3A_79 = tpu.sem_alloc : memref<!tpu.dma_semaphore, #tpu.memory_space<semaphore_mem>>
        %dma_start3A_80 = arith.constant 0 : i32
        %dma_start3A_81 = arith.constant 0 : i32
        %dma_start3A_82 = arith.constant 0 : i32
        %dma_start3A_83 = tpu.memref_slice %arg4[%arg1, %dma_start3A_80, %dma_start3A_81, %dma_start3A_82] : memref<16x158x3x128xi32, #tpu.memory_space<hbm>> -> memref<1x158x3x128xi32, #tpu.memory_space<hbm>>
        %dma_start3A_84 = tpu.memref_squeeze %dma_start3A_83 : memref<1x158x3x128xi32, #tpu.memory_space<hbm>> -> memref<158x3x128xi32, #tpu.memory_space<hbm>>
        %dma_start3A_85 = arith.constant 0 : i32
        %dma_start3A_86 = arith.constant 0 : i32
        %dma_start3A_87 = tpu.memref_slice %dma_start3A_84[%scan3A_38, %dma_start3A_85, %dma_start3A_86] : memref<158x3x128xi32, #tpu.memory_space<hbm>> -> memref<1x3x128xi32, #tpu.memory_space<hbm>>
        %dma_start3A_88 = tpu.memref_squeeze %dma_start3A_87 : memref<1x3x128xi32, #tpu.memory_space<hbm>> -> memref<3x128xi32, #tpu.memory_space<hbm>>
        %dma_start3A_89 = arith.constant 0 : i32
        %dma_start3A_90 = arith.constant 0 : i32
        %dma_start3A_91 = arith.constant 0 : i32
        %dma_start3A_92 = tpu.memref_slice %arg4[%arg1, %dma_start3A_89, %dma_start3A_90, %dma_start3A_91] : memref<16x158x3x128xi32, #tpu.memory_space<hbm>> -> memref<1x158x3x128xi32, #tpu.memory_space<hbm>>
        %dma_start3A_93 = tpu.memref_squeeze %dma_start3A_92 : memref<1x158x3x128xi32, #tpu.memory_space<hbm>> -> memref<158x3x128xi32, #tpu.memory_space<hbm>>
        %dma_start3A_94 = arith.constant 0 : i32
        %dma_start3A_95 = arith.constant 0 : i32
        %dma_start3A_96 = tpu.memref_slice %dma_start3A_93[%scan3A_38, %dma_start3A_94, %dma_start3A_95] : memref<158x3x128xi32, #tpu.memory_space<hbm>> -> memref<1x3x128xi32, #tpu.memory_space<hbm>>
        %dma_start3A_97 = tpu.memref_squeeze %dma_start3A_96 : memref<1x3x128xi32, #tpu.memory_space<hbm>> -> memref<3x128xi32, #tpu.memory_space<hbm>>
        tpu.enqueue_dma source(%dma_start3A_97 : memref<3x128xi32, #tpu.memory_space<hbm>>) target(%arg7 : memref<3x128xi32, #tpu.memory_space<vmem>>) target_semaphore(%run_scoped3A_79 : memref<!tpu.dma_semaphore, #tpu.memory_space<semaphore_mem>>)
        %dma_wait3A_98 = arith.constant 0 : i32
        %dma_wait3A_99 = arith.constant 0 : i32
        %dma_wait3A_100 = arith.constant 0 : i32
        %dma_wait3A_101 = tpu.memref_slice %arg4[%arg1, %dma_wait3A_98, %dma_wait3A_99, %dma_wait3A_100] : memref<16x158x3x128xi32, #tpu.memory_space<hbm>> -> memref<1x158x3x128xi32, #tpu.memory_space<hbm>>
        %dma_wait3A_102 = tpu.memref_squeeze %dma_wait3A_101 : memref<1x158x3x128xi32, #tpu.memory_space<hbm>> -> memref<158x3x128xi32, #tpu.memory_space<hbm>>
        %dma_wait3A_103 = arith.constant 0 : i32
        %dma_wait3A_104 = arith.constant 0 : i32
        %dma_wait3A_105 = tpu.memref_slice %dma_wait3A_102[%scan3A_38, %dma_wait3A_103, %dma_wait3A_104] : memref<158x3x128xi32, #tpu.memory_space<hbm>> -> memref<1x3x128xi32, #tpu.memory_space<hbm>>
        %dma_wait3A_106 = tpu.memref_squeeze %dma_wait3A_105 : memref<1x3x128xi32, #tpu.memory_space<hbm>> -> memref<3x128xi32, #tpu.memory_space<hbm>>
        %dma_wait3A_107 = arith.constant 0 : i32
        %dma_wait3A_108 = arith.constant 0 : i32
        %dma_wait3A_109 = arith.constant 0 : i32
        %dma_wait3A_110 = tpu.memref_slice %arg4[%arg1, %dma_wait3A_107, %dma_wait3A_108, %dma_wait3A_109] : memref<16x158x3x128xi32, #tpu.memory_space<hbm>> -> memref<1x158x3x128xi32, #tpu.memory_space<hbm>>
        %dma_wait3A_111 = tpu.memref_squeeze %dma_wait3A_110 : memref<1x158x3x128xi32, #tpu.memory_space<hbm>> -> memref<158x3x128xi32, #tpu.memory_space<hbm>>
        %dma_wait3A_112 = arith.constant 0 : i32
        %dma_wait3A_113 = arith.constant 0 : i32
        %dma_wait3A_114 = tpu.memref_slice %dma_wait3A_111[%scan3A_38, %dma_wait3A_112, %dma_wait3A_113] : memref<158x3x128xi32, #tpu.memory_space<hbm>> -> memref<1x3x128xi32, #tpu.memory_space<hbm>>
        %dma_wait3A_115 = tpu.memref_squeeze %dma_wait3A_114 : memref<1x3x128xi32, #tpu.memory_space<hbm>> -> memref<3x128xi32, #tpu.memory_space<hbm>>
        tpu.wait_dma2 semaphore(%run_scoped3A_79 : memref<!tpu.dma_semaphore, #tpu.memory_space<semaphore_mem>>) src(%dma_wait3A_115 : memref<3x128xi32, #tpu.memory_space<hbm>>) dst(%arg7 : memref<3x128xi32, #tpu.memory_space<vmem>>)
        tpu.yield
      }) : () -> ()
      %dma_start3A = arith.constant 0 : i32
      %dma_start3A_39 = arith.constant 0 : i32
      %dma_start3A_40 = tpu.memref_slice %arg7[%dma_start3A, %dma_start3A_39] : memref<3x128xi32, #tpu.memory_space<vmem>> -> memref<1x128xi32, #tpu.memory_space<vmem>>
      %dma_start3A_41 = tpu.memref_squeeze %dma_start3A_40 : memref<1x128xi32, #tpu.memory_space<vmem>> -> memref<128xi32, #tpu.memory_space<vmem>>
      %dma_start3A_42 = arith.constant 0 : i32
      %dma_start3A_43 = arith.constant 0 : i32
      %dma_start3A_44 = tpu.memref_slice %arg2[%arg0, %dma_start3A_42, %dma_start3A_43] : memref<2x10000x64xf32, #tpu.memory_space<hbm>> -> memref<1x10000x64xf32, #tpu.memory_space<hbm>>
      %dma_start3A_45 = tpu.memref_squeeze %dma_start3A_44 : memref<1x10000x64xf32, #tpu.memory_space<hbm>> -> memref<10000x64xf32, #tpu.memory_space<hbm>>
      %dma_start3A_46 = arith.constant 0 : i32
      %dma_start3A_47 = arith.constant 0 : i32
      %dma_start3A_48 = tpu.memref_slice %dma_start3A_45[%dma_start3A_46, %dma_start3A_47] : memref<10000x64xf32, #tpu.memory_space<hbm>> -> memref<10000x64xf32, #tpu.memory_space<hbm>>
      tpu.enqueue_indirect_dma source(%dma_start3A_48 : memref<10000x64xf32, #tpu.memory_space<hbm>>) target(%arg8 : memref<128x64xf32, #tpu.memory_space<vmem>>) offsets(%dma_start3A_41 : memref<128xi32, #tpu.memory_space<vmem>>) semaphore(%arg14 : memref<!tpu.dma_semaphore, #tpu.memory_space<semaphore_mem>>)
      %dma_start3A_49 = arith.constant 2 : i32
      %dma_start3A_50 = arith.constant 0 : i32
      %dma_start3A_51 = tpu.memref_slice %arg7[%dma_start3A_49, %dma_start3A_50] : memref<3x128xi32, #tpu.memory_space<vmem>> -> memref<1x128xi32, #tpu.memory_space<vmem>>
      %dma_start3A_52 = tpu.memref_squeeze %dma_start3A_51 : memref<1x128xi32, #tpu.memory_space<vmem>> -> memref<128xi32, #tpu.memory_space<vmem>>
      %dma_start3A_53 = arith.constant 0 : i32
      %dma_start3A_54 = arith.constant 0 : i32
      %dma_start3A_55 = tpu.memref_slice %arg13[%dma_start3A_53, %dma_start3A_54] : memref<256x64xf32, #tpu.memory_space<vmem_shared>> -> memref<256x64xf32, #tpu.memory_space<vmem_shared>>
      tpu.enqueue_indirect_dma source(%dma_start3A_55 : memref<256x64xf32, #tpu.memory_space<vmem_shared>>) target(%arg9 : memref<128x64xf32, #tpu.memory_space<vmem>>) offsets(%dma_start3A_52 : memref<128xi32, #tpu.memory_space<vmem>>) semaphore(%arg15 : memref<!tpu.dma_semaphore, #tpu.memory_space<semaphore_mem>>)
      %dma_wait3A = arith.constant 0 : i32
      %dma_wait3A_56 = arith.constant 0 : i32
      %dma_wait3A_57 = tpu.memref_slice %arg7[%dma_wait3A, %dma_wait3A_56] : memref<3x128xi32, #tpu.memory_space<vmem>> -> memref<1x128xi32, #tpu.memory_space<vmem>>
      %dma_wait3A_58 = tpu.memref_squeeze %dma_wait3A_57 : memref<1x128xi32, #tpu.memory_space<vmem>> -> memref<128xi32, #tpu.memory_space<vmem>>
      %dma_wait3A_59 = arith.constant 0 : i32
      %dma_wait3A_60 = arith.constant 0 : i32
      %dma_wait3A_61 = tpu.memref_slice %arg2[%arg0, %dma_wait3A_59, %dma_wait3A_60] : memref<2x10000x64xf32, #tpu.memory_space<hbm>> -> memref<1x10000x64xf32, #tpu.memory_space<hbm>>
      %dma_wait3A_62 = tpu.memref_squeeze %dma_wait3A_61 : memref<1x10000x64xf32, #tpu.memory_space<hbm>> -> memref<10000x64xf32, #tpu.memory_space<hbm>>
      %dma_wait3A_63 = arith.constant 0 : i32
      %dma_wait3A_64 = arith.constant 0 : i32
      %dma_wait3A_65 = tpu.memref_slice %dma_wait3A_62[%dma_wait3A_63, %dma_wait3A_64] : memref<10000x64xf32, #tpu.memory_space<hbm>> -> memref<10000x64xf32, #tpu.memory_space<hbm>>
      tpu.wait_indirect_dma semaphore(%arg14 : memref<!tpu.dma_semaphore, #tpu.memory_space<semaphore_mem>>) src(%dma_wait3A_65 : memref<10000x64xf32, #tpu.memory_space<hbm>>) dst(%arg8 : memref<128x64xf32, #tpu.memory_space<vmem>>)
      %dma_wait3A_66 = arith.constant 2 : i32
      %dma_wait3A_67 = arith.constant 0 : i32
      %dma_wait3A_68 = tpu.memref_slice %arg7[%dma_wait3A_66, %dma_wait3A_67] : memref<3x128xi32, #tpu.memory_space<vmem>> -> memref<1x128xi32, #tpu.memory_space<vmem>>
      %dma_wait3A_69 = tpu.memref_squeeze %dma_wait3A_68 : memref<1x128xi32, #tpu.memory_space<vmem>> -> memref<128xi32, #tpu.memory_space<vmem>>
      %dma_wait3A_70 = arith.constant 0 : i32
      %dma_wait3A_71 = arith.constant 0 : i32
      %dma_wait3A_72 = tpu.memref_slice %arg13[%dma_wait3A_70, %dma_wait3A_71] : memref<256x64xf32, #tpu.memory_space<vmem_shared>> -> memref<256x64xf32, #tpu.memory_space<vmem_shared>>
      tpu.wait_indirect_dma semaphore(%arg15 : memref<!tpu.dma_semaphore, #tpu.memory_space<semaphore_mem>>) src(%dma_wait3A_72 : memref<256x64xf32, #tpu.memory_space<vmem_shared>>) dst(%arg9 : memref<128x64xf32, #tpu.memory_space<vmem>>)
      %run_scoped3A = arith.constant 1 : i32
      "tpu.region"() ({
        %run_scoped3A_79 = tpu.sem_alloc : memref<!tpu.dma_semaphore, #tpu.memory_space<semaphore_mem>>
        %dma_start3A_80 = arith.constant 0 : i32
        %dma_start3A_81 = tpu.memref_slice %arg7[%run_scoped3A, %dma_start3A_80] : memref<3x128xi32, #tpu.memory_space<vmem>> -> memref<1x128xi32, #tpu.memory_space<vmem>>
        %dma_start3A_82 = tpu.memref_squeeze %dma_start3A_81 : memref<1x128xi32, #tpu.memory_space<vmem>> -> memref<128xi32, #tpu.memory_space<vmem>>
        %dma_start3A_83 = arith.constant 0 : i32
        %dma_start3A_84 = arith.constant 0 : i32
        %dma_start3A_85 = tpu.memref_slice %arg12[%dma_start3A_83, %dma_start3A_84] : memref<10112x64xf32, #tpu.memory_space<vmem_shared>> -> memref<10112x64xf32, #tpu.memory_space<vmem_shared>>
        tpu.enqueue_indirect_dma source(%arg8 : memref<128x64xf32, #tpu.memory_space<vmem>>) target(%dma_start3A_85 : memref<10112x64xf32, #tpu.memory_space<vmem_shared>>) offsets(%dma_start3A_82 : memref<128xi32, #tpu.memory_space<vmem>>) semaphore(%run_scoped3A_79 : memref<!tpu.dma_semaphore, #tpu.memory_space<semaphore_mem>>) {add = true}
        %dma_wait3A_86 = arith.constant 0 : i32
        %dma_wait3A_87 = tpu.memref_slice %arg7[%run_scoped3A, %dma_wait3A_86] : memref<3x128xi32, #tpu.memory_space<vmem>> -> memref<1x128xi32, #tpu.memory_space<vmem>>
        %dma_wait3A_88 = tpu.memref_squeeze %dma_wait3A_87 : memref<1x128xi32, #tpu.memory_space<vmem>> -> memref<128xi32, #tpu.memory_space<vmem>>
        %dma_wait3A_89 = arith.constant 0 : i32
        %dma_wait3A_90 = arith.constant 0 : i32
        %dma_wait3A_91 = tpu.memref_slice %arg12[%dma_wait3A_89, %dma_wait3A_90] : memref<10112x64xf32, #tpu.memory_space<vmem_shared>> -> memref<10112x64xf32, #tpu.memory_space<vmem_shared>>
        tpu.wait_indirect_dma semaphore(%run_scoped3A_79 : memref<!tpu.dma_semaphore, #tpu.memory_space<semaphore_mem>>) src(%arg8 : memref<128x64xf32, #tpu.memory_space<vmem>>) dst(%dma_wait3A_91 : memref<10112x64xf32, #tpu.memory_space<vmem_shared>>)
        tpu.yield
      }) : () -> ()
      %run_scoped3A_73 = arith.constant 1 : i32
      "tpu.region"() ({
        %run_scoped3A_79 = tpu.sem_alloc : memref<!tpu.dma_semaphore, #tpu.memory_space<semaphore_mem>>
        %dma_start3A_80 = arith.constant 0 : i32
        %dma_start3A_81 = tpu.memref_slice %arg7[%run_scoped3A_73, %dma_start3A_80] : memref<3x128xi32, #tpu.memory_space<vmem>> -> memref<1x128xi32, #tpu.memory_space<vmem>>
        %dma_start3A_82 = tpu.memref_squeeze %dma_start3A_81 : memref<1x128xi32, #tpu.memory_space<vmem>> -> memref<128xi32, #tpu.memory_space<vmem>>
        %dma_start3A_83 = arith.constant 0 : i32
        %dma_start3A_84 = arith.constant 0 : i32
        %dma_start3A_85 = tpu.memref_slice %arg12[%dma_start3A_83, %dma_start3A_84] : memref<10112x64xf32, #tpu.memory_space<vmem_shared>> -> memref<10112x64xf32, #tpu.memory_space<vmem_shared>>
        tpu.enqueue_indirect_dma source(%arg9 : memref<128x64xf32, #tpu.memory_space<vmem>>) target(%dma_start3A_85 : memref<10112x64xf32, #tpu.memory_space<vmem_shared>>) offsets(%dma_start3A_82 : memref<128xi32, #tpu.memory_space<vmem>>) semaphore(%run_scoped3A_79 : memref<!tpu.dma_semaphore, #tpu.memory_space<semaphore_mem>>) {add = true}
        %dma_wait3A_86 = arith.constant 0 : i32
        %dma_wait3A_87 = tpu.memref_slice %arg7[%run_scoped3A_73, %dma_wait3A_86] : memref<3x128xi32, #tpu.memory_space<vmem>> -> memref<1x128xi32, #tpu.memory_space<vmem>>
        %dma_wait3A_88 = tpu.memref_squeeze %dma_wait3A_87 : memref<1x128xi32, #tpu.memory_space<vmem>> -> memref<128xi32, #tpu.memory_space<vmem>>
        %dma_wait3A_89 = arith.constant 0 : i32
        %dma_wait3A_90 = arith.constant 0 : i32
        %dma_wait3A_91 = tpu.memref_slice %arg12[%dma_wait3A_89, %dma_wait3A_90] : memref<10112x64xf32, #tpu.memory_space<vmem_shared>> -> memref<10112x64xf32, #tpu.memory_space<vmem_shared>>
        tpu.wait_indirect_dma semaphore(%run_scoped3A_79 : memref<!tpu.dma_semaphore, #tpu.memory_space<semaphore_mem>>) src(%arg9 : memref<128x64xf32, #tpu.memory_space<vmem>>) dst(%dma_wait3A_91 : memref<10112x64xf32, #tpu.memory_space<vmem_shared>>)
        tpu.yield
      }) : () -> ()
      %eq3A_74 = arith.constant 0 : i32
      %eq3A_75 = arith.cmpi eq, %arg0, %eq3A_74 : i32
      %convert_element_type3A_76 = arith.extui %eq3A_75 : i1 to i32
      %cond3A_77 = arith.constant 0 : i32
      %cond3A_78 = arith.cmpi ne, %convert_element_type3A_76, %cond3A_77 : i32
      scf.if %cond3A_78 {
        %get3A = arith.constant 1 : i32
        %get3A_79 = arith.index_cast %get3A : i32 to index
        %get3A_80 = arith.constant 0 : index
        %get3A_81 = tpu.vector_load %arg7[%get3A_79, %get3A_80] {strides = array<i32>} : memref<3x128xi32, #tpu.memory_space<vmem>>, vector<16xi32>,
        tpu.vector_store_idx %arg11[%get3A_81], %broadcast_in_dim3A_2 {add = true} : memref<10112xf32, #tpu.memory_space<vmem>>[vector<16xi32>], vector<16xf32>,
        %get3A_82 = arith.constant 1 : i32
        %get3A_83 = arith.index_cast %get3A_82 : i32 to index
        %get3A_84 = arith.constant 16 : index
        %get3A_85 = tpu.vector_load %arg7[%get3A_83, %get3A_84] {strides = array<i32>} : memref<3x128xi32, #tpu.memory_space<vmem>>, vector<16xi32>,
        tpu.vector_store_idx %arg11[%get3A_85], %broadcast_in_dim3A_2 {add = true} : memref<10112xf32, #tpu.memory_space<vmem>>[vector<16xi32>], vector<16xf32>,
        %get3A_86 = arith.constant 1 : i32
        %get3A_87 = arith.index_cast %get3A_86 : i32 to index
        %get3A_88 = arith.constant 32 : index
        %get3A_89 = tpu.vector_load %arg7[%get3A_87, %get3A_88] {strides = array<i32>} : memref<3x128xi32, #tpu.memory_space<vmem>>, vector<16xi32>,
        tpu.vector_store_idx %arg11[%get3A_89], %broadcast_in_dim3A_2 {add = true} : memref<10112xf32, #tpu.memory_space<vmem>>[vector<16xi32>], vector<16xf32>,
        %get3A_90 = arith.constant 1 : i32
        %get3A_91 = arith.index_cast %get3A_90 : i32 to index
        %get3A_92 = arith.constant 48 : index
        %get3A_93 = tpu.vector_load %arg7[%get3A_91, %get3A_92] {strides = array<i32>} : memref<3x128xi32, #tpu.memory_space<vmem>>, vector<16xi32>,
        tpu.vector_store_idx %arg11[%get3A_93], %broadcast_in_dim3A_2 {add = true} : memref<10112xf32, #tpu.memory_space<vmem>>[vector<16xi32>], vector<16xf32>,
        %get3A_94 = arith.constant 1 : i32
        %get3A_95 = arith.index_cast %get3A_94 : i32 to index
        %get3A_96 = arith.constant 64 : index
        %get3A_97 = tpu.vector_load %arg7[%get3A_95, %get3A_96] {strides = array<i32>} : memref<3x128xi32, #tpu.memory_space<vmem>>, vector<16xi32>,
        tpu.vector_store_idx %arg11[%get3A_97], %broadcast_in_dim3A_2 {add = true} : memref<10112xf32, #tpu.memory_space<vmem>>[vector<16xi32>], vector<16xf32>,
        %get3A_98 = arith.constant 1 : i32
        %get3A_99 = arith.index_cast %get3A_98 : i32 to index
        %get3A_100 = arith.constant 80 : index
        %get3A_101 = tpu.vector_load %arg7[%get3A_99, %get3A_100] {strides = array<i32>} : memref<3x128xi32, #tpu.memory_space<vmem>>, vector<16xi32>,
        tpu.vector_store_idx %arg11[%get3A_101], %broadcast_in_dim3A_2 {add = true} : memref<10112xf32, #tpu.memory_space<vmem>>[vector<16xi32>], vector<16xf32>,
        %get3A_102 = arith.constant 1 : i32
        %get3A_103 = arith.index_cast %get3A_102 : i32 to index
        %get3A_104 = arith.constant 96 : index
        %get3A_105 = tpu.vector_load %arg7[%get3A_103, %get3A_104] {strides = array<i32>} : memref<3x128xi32, #tpu.memory_space<vmem>>, vector<16xi32>,
        tpu.vector_store_idx %arg11[%get3A_105], %broadcast_in_dim3A_2 {add = true} : memref<10112xf32, #tpu.memory_space<vmem>>[vector<16xi32>], vector<16xf32>,
        %get3A_106 = arith.constant 1 : i32
        %get3A_107 = arith.index_cast %get3A_106 : i32 to index
        %get3A_108 = arith.constant 112 : index
        %get3A_109 = tpu.vector_load %arg7[%get3A_107, %get3A_108] {strides = array<i32>} : memref<3x128xi32, #tpu.memory_space<vmem>>, vector<16xi32>,
        tpu.vector_store_idx %arg11[%get3A_109], %broadcast_in_dim3A_2 {add = true} : memref<10112xf32, #tpu.memory_space<vmem>>[vector<16xi32>], vector<16xf32>,
      } else {
      }
    }
    %scan3A_31 = arith.constant 158 : i32
    %barrier3A_32 = arith.constant 0 : index
    tpu.barrier barrier_id(%barrier3A_32)
    "tpu.region"() ({
      %run_scoped3A = tpu.sem_alloc : memref<!tpu.dma_semaphore, #tpu.memory_space<semaphore_mem>>
      %dma_start3A = arith.constant 0 : i32
      %dma_start3A_38 = tpu.memref_slice %arg5[%arg0, %mul3A_14, %dma_start3A] : memref<2x10112x64xf32, #tpu.memory_space<hbm>> -> memref<1x632x64xf32, #tpu.memory_space<hbm>>
      %dma_start3A_39 = tpu.memref_squeeze %dma_start3A_38 : memref<1x632x64xf32, #tpu.memory_space<hbm>> -> memref<632x64xf32, #tpu.memory_space<hbm>>
      %dma_start3A_40 = arith.constant 0 : i32
      %dma_start3A_41 = tpu.memref_slice %arg12[%mul3A_14, %dma_start3A_40] : memref<10112x64xf32, #tpu.memory_space<vmem_shared>> -> memref<632x64xf32, #tpu.memory_space<vmem_shared>>
      tpu.enqueue_dma source(%dma_start3A_41 : memref<632x64xf32, #tpu.memory_space<vmem_shared>>) target(%dma_start3A_39 : memref<632x64xf32, #tpu.memory_space<hbm>>) target_semaphore(%run_scoped3A : memref<!tpu.dma_semaphore, #tpu.memory_space<semaphore_mem>>)
      %dma_wait3A = arith.constant 0 : i32
      %dma_wait3A_42 = tpu.memref_slice %arg5[%arg0, %mul3A_14, %dma_wait3A] : memref<2x10112x64xf32, #tpu.memory_space<hbm>> -> memref<1x632x64xf32, #tpu.memory_space<hbm>>
      %dma_wait3A_43 = tpu.memref_squeeze %dma_wait3A_42 : memref<1x632x64xf32, #tpu.memory_space<hbm>> -> memref<632x64xf32, #tpu.memory_space<hbm>>
      %dma_wait3A_44 = arith.constant 0 : i32
      %dma_wait3A_45 = tpu.memref_slice %arg12[%mul3A_14, %dma_wait3A_44] : memref<10112x64xf32, #tpu.memory_space<vmem_shared>> -> memref<632x64xf32, #tpu.memory_space<vmem_shared>>
      tpu.wait_dma2 semaphore(%run_scoped3A : memref<!tpu.dma_semaphore, #tpu.memory_space<semaphore_mem>>) src(%dma_wait3A_45 : memref<632x64xf32, #tpu.memory_space<vmem_shared>>) dst(%dma_wait3A_43 : memref<632x64xf32, #tpu.memory_space<hbm>>)
      tpu.yield
    }) : () -> ()
    %eq3A_33 = arith.constant 0 : i32
    %eq3A_34 = arith.cmpi eq, %arg0, %eq3A_33 : i32
    %convert_element_type3A_35 = arith.extui %eq3A_34 : i1 to i32
    %cond3A_36 = arith.constant 0 : i32
    %cond3A_37 = arith.cmpi ne, %convert_element_type3A_35, %cond3A_36 : i32
    scf.if %cond3A_37 {
      "tpu.region"() ({
        %run_scoped3A = tpu.sem_alloc : memref<!tpu.dma_semaphore, #tpu.memory_space<semaphore_mem>>
        %dma_start3A = arith.constant 0 : i32
        %dma_start3A_38 = tpu.memref_slice %arg6[%arg1, %dma_start3A] : memref<16x10112xf32, #tpu.memory_space<hbm>> -> memref<1x10112xf32, #tpu.memory_space<hbm>>
        %dma_start3A_39 = tpu.memref_squeeze %dma_start3A_38 : memref<1x10112xf32, #tpu.memory_space<hbm>> -> memref<10112xf32, #tpu.memory_space<hbm>>
        %dma_start3A_40 = arith.constant 0 : i32
        %dma_start3A_41 = tpu.memref_slice %arg6[%arg1, %dma_start3A_40] : memref<16x10112xf32, #tpu.memory_space<hbm>> -> memref<1x10112xf32, #tpu.memory_space<hbm>>
        %dma_start3A_42 = tpu.memref_squeeze %dma_start3A_41 : memref<1x10112xf32, #tpu.memory_space<hbm>> -> memref<10112xf32, #tpu.memory_space<hbm>>
        tpu.enqueue_dma source(%arg11 : memref<10112xf32, #tpu.memory_space<vmem>>) target(%dma_start3A_42 : memref<10112xf32, #tpu.memory_space<hbm>>) target_semaphore(%run_scoped3A : memref<!tpu.dma_semaphore, #tpu.memory_space<semaphore_mem>>)
        %dma_wait3A = arith.constant 0 : i32
        %dma_wait3A_43 = tpu.memref_slice %arg6[%arg1, %dma_wait3A] : memref<16x10112xf32, #tpu.memory_space<hbm>> -> memref<1x10112xf32, #tpu.memory_space<hbm>>
        %dma_wait3A_44 = tpu.memref_squeeze %dma_wait3A_43 : memref<1x10112xf32, #tpu.memory_space<hbm>> -> memref<10112xf32, #tpu.memory_space<hbm>>
        %dma_wait3A_45 = arith.constant 0 : i32
        %dma_wait3A_46 = tpu.memref_slice %arg6[%arg1, %dma_wait3A_45] : memref<16x10112xf32, #tpu.memory_space<hbm>> -> memref<1x10112xf32, #tpu.memory_space<hbm>>
        %dma_wait3A_47 = tpu.memref_squeeze %dma_wait3A_46 : memref<1x10112xf32, #tpu.memory_space<hbm>> -> memref<10112xf32, #tpu.memory_space<hbm>>
        tpu.wait_dma2 semaphore(%run_scoped3A : memref<!tpu.dma_semaphore, #tpu.memory_space<semaphore_mem>>) src(%arg11 : memref<10112xf32, #tpu.memory_space<vmem>>) dst(%dma_wait3A_47 : memref<10112xf32, #tpu.memory_space<hbm>>)
        tpu.yield
      }) : () -> ()
    } else {
    }
    return
  }
}

#map = affine_map<(d0, d1) -> (0, 0, 0)>
#map1 = affine_map<(d0, d1) -> (0, 0, 0, 0)>
#map2 = affine_map<(d0, d1) -> (0, 0)>
module attributes {stable_mosaic.version = 14 : i64} {
  func.func @_sc_aggregate(%arg0: i32, %arg1: i32, %arg2: memref<2x10000x64xf32, #tpu.memory_space<hbm>>, %arg3: memref<2x256x64xf32, #tpu.memory_space<hbm>>, %arg4: memref<16x158x3x128xi32, #tpu.memory_space<hbm>>, %arg5: memref<2x10112x64xf32, #tpu.memory_space<hbm>>, %arg6: memref<16x10112xf32, #tpu.memory_space<hbm>>, %arg7: memref<3x128xi32, #tpu.memory_space<vmem>>, %arg8: memref<128x64xf32, #tpu.memory_space<vmem>>, %arg9: memref<128x64xf32, #tpu.memory_space<vmem>>, %arg10: memref<128x64xf32, #tpu.memory_space<vmem>>, %arg11: memref<10112xf32, #tpu.memory_space<vmem>>, %arg12: memref<10112x64xf32, #tpu.memory_space<vmem_shared>>, %arg13: memref<256x64xf32, #tpu.memory_space<vmem_shared>>, %arg14: memref<!tpu.dma_semaphore, #tpu.memory_space<semaphore_mem>>, %arg15: memref<!tpu.dma_semaphore, #tpu.memory_space<semaphore_mem>>) attributes {dimension_semantics = [#tpu.dimension_semantics<core_parallel>, #tpu.dimension_semantics<subcore_parallel>], iteration_bounds = array<i64: 2, 16>, scalar_prefetch = 0 : i64, scratch_operands = 9 : i64, tpu.core_type = #tpu.core_type<sc_vector_subcore>, window_params = [{transform_indices = #map}, {transform_indices = #map}, {transform_indices = #map1}, {transform_indices = #map}, {transform_indices = #map2}]} {
    %broadcast_in_dim3A = arith.constant 0.000000e+00 : f32
    %broadcast_in_dim3A_0 = vector.broadcast %broadcast_in_dim3A : f32 to vector<16xf32>
    %broadcast_in_dim3A_1 = arith.constant 1.000000e+00 : f32
    %broadcast_in_dim3A_2 = vector.broadcast %broadcast_in_dim3A_1 : f32 to vector<16xf32>
    %scan3A = arith.constant 0 : i32
    %scan3A_3 = arith.constant 0 : i32
    %scan3A_4 = arith.constant 128 : i32
    %scan3A_5 = arith.addi %scan3A_3, %scan3A_4 : i32
    %scan3A_6 = arith.constant 1 : i32
    scf.for %scan3A_38 = %scan3A_3 to %scan3A_5 step %scan3A_6  : i32 {
      %swap3A = arith.index_cast %scan3A_38 : i32 to index
      %swap3A_39 = arith.constant 0 : index
      %swap3A_40 = tpu.vector_load %arg10[%swap3A, %swap3A_39] {strides = array<i32>} : memref<128x64xf32, #tpu.memory_space<vmem>>, vector<16xf32>,
      tpu.vector_store %arg10[%swap3A, %swap3A_39], %broadcast_in_dim3A_0 {strides = array<i32>} : memref<128x64xf32, #tpu.memory_space<vmem>>, vector<16xf32>,
      %swap3A_41 = arith.index_cast %scan3A_38 : i32 to index
      %swap3A_42 = arith.constant 16 : index
      %swap3A_43 = tpu.vector_load %arg10[%swap3A_41, %swap3A_42] {strides = array<i32>} : memref<128x64xf32, #tpu.memory_space<vmem>>, vector<16xf32>,
      tpu.vector_store %arg10[%swap3A_41, %swap3A_42], %broadcast_in_dim3A_0 {strides = array<i32>} : memref<128x64xf32, #tpu.memory_space<vmem>>, vector<16xf32>,
      %swap3A_44 = arith.index_cast %scan3A_38 : i32 to index
      %swap3A_45 = arith.constant 32 : index
      %swap3A_46 = tpu.vector_load %arg10[%swap3A_44, %swap3A_45] {strides = array<i32>} : memref<128x64xf32, #tpu.memory_space<vmem>>, vector<16xf32>,
      tpu.vector_store %arg10[%swap3A_44, %swap3A_45], %broadcast_in_dim3A_0 {strides = array<i32>} : memref<128x64xf32, #tpu.memory_space<vmem>>, vector<16xf32>,
      %swap3A_47 = arith.index_cast %scan3A_38 : i32 to index
      %swap3A_48 = arith.constant 48 : index
      %swap3A_49 = tpu.vector_load %arg10[%swap3A_47, %swap3A_48] {strides = array<i32>} : memref<128x64xf32, #tpu.memory_space<vmem>>, vector<16xf32>,
      tpu.vector_store %arg10[%swap3A_47, %swap3A_48], %broadcast_in_dim3A_0 {strides = array<i32>} : memref<128x64xf32, #tpu.memory_space<vmem>>, vector<16xf32>,
    }
    %scan3A_7 = arith.constant 128 : i32
    %scan3A_8 = arith.constant 0 : i32
    %scan3A_9 = arith.constant 0 : i32
    %scan3A_10 = arith.constant 632 : i32
    %scan3A_11 = arith.addi %scan3A_9, %scan3A_10 : i32
    %scan3A_12 = arith.constant 1 : i32
    scf.for %scan3A_38 = %scan3A_9 to %scan3A_11 step %scan3A_12  : i32 {
      %mul3A_39 = arith.constant 16 : i32
      %mul3A_40 = arith.muli %scan3A_38, %mul3A_39 : i32
      %swap3A = arith.index_cast %mul3A_40 : i32 to index
      %swap3A_41 = tpu.vector_load %arg11[%swap3A] {strides = array<i32>} : memref<10112xf32, #tpu.memory_space<vmem>>, vector<16xf32>,
      tpu.vector_store %arg11[%swap3A], %broadcast_in_dim3A_0 {strides = array<i32>} : memref<10112xf32, #tpu.memory_space<vmem>>, vector<16xf32>,
    }
    %scan3A_13 = arith.constant 632 : i32
    %mul3A = arith.constant 632 : i32
    %mul3A_14 = arith.muli %arg1, %mul3A : i32
    %add3A = arith.constant 0 : i32
    %add3A_15 = arith.addi %mul3A_14, %add3A : i32
    "tpu.region"() ({
      %run_scoped3A = tpu.sem_alloc : memref<!tpu.dma_semaphore, #tpu.memory_space<semaphore_mem>>
      %dma_start3A = arith.constant 0 : i32
      %dma_start3A_38 = arith.constant 0 : i32
      %dma_start3A_39 = tpu.memref_slice %arg10[%dma_start3A, %dma_start3A_38] : memref<128x64xf32, #tpu.memory_space<vmem>> -> memref<128x64xf32, #tpu.memory_space<vmem>>
      %dma_start3A_40 = arith.constant 0 : i32
      %dma_start3A_41 = tpu.memref_slice %arg12[%add3A_15, %dma_start3A_40] : memref<10112x64xf32, #tpu.memory_space<vmem_shared>> -> memref<128x64xf32, #tpu.memory_space<vmem_shared>>
      %dma_start3A_42 = arith.constant 0 : i32
      %dma_start3A_43 = tpu.memref_slice %arg12[%add3A_15, %dma_start3A_42] : memref<10112x64xf32, #tpu.memory_space<vmem_shared>> -> memref<128x64xf32, #tpu.memory_space<vmem_shared>>
      %dma_start3A_44 = arith.constant 0 : i32
      %dma_start3A_45 = arith.constant 0 : i32
      %dma_start3A_46 = tpu.memref_slice %arg10[%dma_start3A_44, %dma_start3A_45] : memref<128x64xf32, #tpu.memory_space<vmem>> -> memref<128x64xf32, #tpu.memory_space<vmem>>
      tpu.enqueue_dma source(%dma_start3A_46 : memref<128x64xf32, #tpu.memory_space<vmem>>) target(%dma_start3A_43 : memref<128x64xf32, #tpu.memory_space<vmem_shared>>) target_semaphore(%run_scoped3A : memref<!tpu.dma_semaphore, #tpu.memory_space<semaphore_mem>>)
      %dma_wait3A = arith.constant 0 : i32
      %dma_wait3A_47 = arith.constant 0 : i32
      %dma_wait3A_48 = tpu.memref_slice %arg10[%dma_wait3A, %dma_wait3A_47] : memref<128x64xf32, #tpu.memory_space<vmem>> -> memref<128x64xf32, #tpu.memory_space<vmem>>
      %dma_wait3A_49 = arith.constant 0 : i32
      %dma_wait3A_50 = tpu.memref_slice %arg12[%add3A_15, %dma_wait3A_49] : memref<10112x64xf32, #tpu.memory_space<vmem_shared>> -> memref<128x64xf32, #tpu.memory_space<vmem_shared>>
      %dma_wait3A_51 = arith.constant 0 : i32
      %dma_wait3A_52 = tpu.memref_slice %arg12[%add3A_15, %dma_wait3A_51] : memref<10112x64xf32, #tpu.memory_space<vmem_shared>> -> memref<128x64xf32, #tpu.memory_space<vmem_shared>>
      %dma_wait3A_53 = arith.constant 0 : i32
      %dma_wait3A_54 = arith.constant 0 : i32
      %dma_wait3A_55 = tpu.memref_slice %arg10[%dma_wait3A_53, %dma_wait3A_54] : memref<128x64xf32, #tpu.memory_space<vmem>> -> memref<128x64xf32, #tpu.memory_space<vmem>>
      tpu.wait_dma2 semaphore(%run_scoped3A : memref<!tpu.dma_semaphore, #tpu.memory_space<semaphore_mem>>) src(%dma_wait3A_55 : memref<128x64xf32, #tpu.memory_space<vmem>>) dst(%dma_wait3A_52 : memref<128x64xf32, #tpu.memory_space<vmem_shared>>)
      tpu.yield
    }) : () -> ()
    %add3A_16 = arith.constant 128 : i32
    %add3A_17 = arith.addi %mul3A_14, %add3A_16 : i32
    "tpu.region"() ({
      %run_scoped3A = tpu.sem_alloc : memref<!tpu.dma_semaphore, #tpu.memory_space<semaphore_mem>>
      %dma_start3A = arith.constant 0 : i32
      %dma_start3A_38 = arith.constant 0 : i32
      %dma_start3A_39 = tpu.memref_slice %arg10[%dma_start3A, %dma_start3A_38] : memref<128x64xf32, #tpu.memory_space<vmem>> -> memref<128x64xf32, #tpu.memory_space<vmem>>
      %dma_start3A_40 = arith.constant 0 : i32
      %dma_start3A_41 = tpu.memref_slice %arg12[%add3A_17, %dma_start3A_40] : memref<10112x64xf32, #tpu.memory_space<vmem_shared>> -> memref<128x64xf32, #tpu.memory_space<vmem_shared>>
      %dma_start3A_42 = arith.constant 0 : i32
      %dma_start3A_43 = tpu.memref_slice %arg12[%add3A_17, %dma_start3A_42] : memref<10112x64xf32, #tpu.memory_space<vmem_shared>> -> memref<128x64xf32, #tpu.memory_space<vmem_shared>>
      %dma_start3A_44 = arith.constant 0 : i32
      %dma_start3A_45 = arith.constant 0 : i32
      %dma_start3A_46 = tpu.memref_slice %arg10[%dma_start3A_44, %dma_start3A_45] : memref<128x64xf32, #tpu.memory_space<vmem>> -> memref<128x64xf32, #tpu.memory_space<vmem>>
      tpu.enqueue_dma source(%dma_start3A_46 : memref<128x64xf32, #tpu.memory_space<vmem>>) target(%dma_start3A_43 : memref<128x64xf32, #tpu.memory_space<vmem_shared>>) target_semaphore(%run_scoped3A : memref<!tpu.dma_semaphore, #tpu.memory_space<semaphore_mem>>)
      %dma_wait3A = arith.constant 0 : i32
      %dma_wait3A_47 = arith.constant 0 : i32
      %dma_wait3A_48 = tpu.memref_slice %arg10[%dma_wait3A, %dma_wait3A_47] : memref<128x64xf32, #tpu.memory_space<vmem>> -> memref<128x64xf32, #tpu.memory_space<vmem>>
      %dma_wait3A_49 = arith.constant 0 : i32
      %dma_wait3A_50 = tpu.memref_slice %arg12[%add3A_17, %dma_wait3A_49] : memref<10112x64xf32, #tpu.memory_space<vmem_shared>> -> memref<128x64xf32, #tpu.memory_space<vmem_shared>>
      %dma_wait3A_51 = arith.constant 0 : i32
      %dma_wait3A_52 = tpu.memref_slice %arg12[%add3A_17, %dma_wait3A_51] : memref<10112x64xf32, #tpu.memory_space<vmem_shared>> -> memref<128x64xf32, #tpu.memory_space<vmem_shared>>
      %dma_wait3A_53 = arith.constant 0 : i32
      %dma_wait3A_54 = arith.constant 0 : i32
      %dma_wait3A_55 = tpu.memref_slice %arg10[%dma_wait3A_53, %dma_wait3A_54] : memref<128x64xf32, #tpu.memory_space<vmem>> -> memref<128x64xf32, #tpu.memory_space<vmem>>
      tpu.wait_dma2 semaphore(%run_scoped3A : memref<!tpu.dma_semaphore, #tpu.memory_space<semaphore_mem>>) src(%dma_wait3A_55 : memref<128x64xf32, #tpu.memory_space<vmem>>) dst(%dma_wait3A_52 : memref<128x64xf32, #tpu.memory_space<vmem_shared>>)
      tpu.yield
    }) : () -> ()
    %add3A_18 = arith.constant 256 : i32
    %add3A_19 = arith.addi %mul3A_14, %add3A_18 : i32
    "tpu.region"() ({
      %run_scoped3A = tpu.sem_alloc : memref<!tpu.dma_semaphore, #tpu.memory_space<semaphore_mem>>
      %dma_start3A = arith.constant 0 : i32
      %dma_start3A_38 = arith.constant 0 : i32
      %dma_start3A_39 = tpu.memref_slice %arg10[%dma_start3A, %dma_start3A_38] : memref<128x64xf32, #tpu.memory_space<vmem>> -> memref<128x64xf32, #tpu.memory_space<vmem>>
      %dma_start3A_40 = arith.constant 0 : i32
      %dma_start3A_41 = tpu.memref_slice %arg12[%add3A_19, %dma_start3A_40] : memref<10112x64xf32, #tpu.memory_space<vmem_shared>> -> memref<128x64xf32, #tpu.memory_space<vmem_shared>>
      %dma_start3A_42 = arith.constant 0 : i32
      %dma_start3A_43 = tpu.memref_slice %arg12[%add3A_19, %dma_start3A_42] : memref<10112x64xf32, #tpu.memory_space<vmem_shared>> -> memref<128x64xf32, #tpu.memory_space<vmem_shared>>
      %dma_start3A_44 = arith.constant 0 : i32
      %dma_start3A_45 = arith.constant 0 : i32
      %dma_start3A_46 = tpu.memref_slice %arg10[%dma_start3A_44, %dma_start3A_45] : memref<128x64xf32, #tpu.memory_space<vmem>> -> memref<128x64xf32, #tpu.memory_space<vmem>>
      tpu.enqueue_dma source(%dma_start3A_46 : memref<128x64xf32, #tpu.memory_space<vmem>>) target(%dma_start3A_43 : memref<128x64xf32, #tpu.memory_space<vmem_shared>>) target_semaphore(%run_scoped3A : memref<!tpu.dma_semaphore, #tpu.memory_space<semaphore_mem>>)
      %dma_wait3A = arith.constant 0 : i32
      %dma_wait3A_47 = arith.constant 0 : i32
      %dma_wait3A_48 = tpu.memref_slice %arg10[%dma_wait3A, %dma_wait3A_47] : memref<128x64xf32, #tpu.memory_space<vmem>> -> memref<128x64xf32, #tpu.memory_space<vmem>>
      %dma_wait3A_49 = arith.constant 0 : i32
      %dma_wait3A_50 = tpu.memref_slice %arg12[%add3A_19, %dma_wait3A_49] : memref<10112x64xf32, #tpu.memory_space<vmem_shared>> -> memref<128x64xf32, #tpu.memory_space<vmem_shared>>
      %dma_wait3A_51 = arith.constant 0 : i32
      %dma_wait3A_52 = tpu.memref_slice %arg12[%add3A_19, %dma_wait3A_51] : memref<10112x64xf32, #tpu.memory_space<vmem_shared>> -> memref<128x64xf32, #tpu.memory_space<vmem_shared>>
      %dma_wait3A_53 = arith.constant 0 : i32
      %dma_wait3A_54 = arith.constant 0 : i32
      %dma_wait3A_55 = tpu.memref_slice %arg10[%dma_wait3A_53, %dma_wait3A_54] : memref<128x64xf32, #tpu.memory_space<vmem>> -> memref<128x64xf32, #tpu.memory_space<vmem>>
      tpu.wait_dma2 semaphore(%run_scoped3A : memref<!tpu.dma_semaphore, #tpu.memory_space<semaphore_mem>>) src(%dma_wait3A_55 : memref<128x64xf32, #tpu.memory_space<vmem>>) dst(%dma_wait3A_52 : memref<128x64xf32, #tpu.memory_space<vmem_shared>>)
      tpu.yield
    }) : () -> ()
    %add3A_20 = arith.constant 384 : i32
    %add3A_21 = arith.addi %mul3A_14, %add3A_20 : i32
    "tpu.region"() ({
      %run_scoped3A = tpu.sem_alloc : memref<!tpu.dma_semaphore, #tpu.memory_space<semaphore_mem>>
      %dma_start3A = arith.constant 0 : i32
      %dma_start3A_38 = arith.constant 0 : i32
      %dma_start3A_39 = tpu.memref_slice %arg10[%dma_start3A, %dma_start3A_38] : memref<128x64xf32, #tpu.memory_space<vmem>> -> memref<128x64xf32, #tpu.memory_space<vmem>>
      %dma_start3A_40 = arith.constant 0 : i32
      %dma_start3A_41 = tpu.memref_slice %arg12[%add3A_21, %dma_start3A_40] : memref<10112x64xf32, #tpu.memory_space<vmem_shared>> -> memref<128x64xf32, #tpu.memory_space<vmem_shared>>
      %dma_start3A_42 = arith.constant 0 : i32
      %dma_start3A_43 = tpu.memref_slice %arg12[%add3A_21, %dma_start3A_42] : memref<10112x64xf32, #tpu.memory_space<vmem_shared>> -> memref<128x64xf32, #tpu.memory_space<vmem_shared>>
      %dma_start3A_44 = arith.constant 0 : i32
      %dma_start3A_45 = arith.constant 0 : i32
      %dma_start3A_46 = tpu.memref_slice %arg10[%dma_start3A_44, %dma_start3A_45] : memref<128x64xf32, #tpu.memory_space<vmem>> -> memref<128x64xf32, #tpu.memory_space<vmem>>
      tpu.enqueue_dma source(%dma_start3A_46 : memref<128x64xf32, #tpu.memory_space<vmem>>) target(%dma_start3A_43 : memref<128x64xf32, #tpu.memory_space<vmem_shared>>) target_semaphore(%run_scoped3A : memref<!tpu.dma_semaphore, #tpu.memory_space<semaphore_mem>>)
      %dma_wait3A = arith.constant 0 : i32
      %dma_wait3A_47 = arith.constant 0 : i32
      %dma_wait3A_48 = tpu.memref_slice %arg10[%dma_wait3A, %dma_wait3A_47] : memref<128x64xf32, #tpu.memory_space<vmem>> -> memref<128x64xf32, #tpu.memory_space<vmem>>
      %dma_wait3A_49 = arith.constant 0 : i32
      %dma_wait3A_50 = tpu.memref_slice %arg12[%add3A_21, %dma_wait3A_49] : memref<10112x64xf32, #tpu.memory_space<vmem_shared>> -> memref<128x64xf32, #tpu.memory_space<vmem_shared>>
      %dma_wait3A_51 = arith.constant 0 : i32
      %dma_wait3A_52 = tpu.memref_slice %arg12[%add3A_21, %dma_wait3A_51] : memref<10112x64xf32, #tpu.memory_space<vmem_shared>> -> memref<128x64xf32, #tpu.memory_space<vmem_shared>>
      %dma_wait3A_53 = arith.constant 0 : i32
      %dma_wait3A_54 = arith.constant 0 : i32
      %dma_wait3A_55 = tpu.memref_slice %arg10[%dma_wait3A_53, %dma_wait3A_54] : memref<128x64xf32, #tpu.memory_space<vmem>> -> memref<128x64xf32, #tpu.memory_space<vmem>>
      tpu.wait_dma2 semaphore(%run_scoped3A : memref<!tpu.dma_semaphore, #tpu.memory_space<semaphore_mem>>) src(%dma_wait3A_55 : memref<128x64xf32, #tpu.memory_space<vmem>>) dst(%dma_wait3A_52 : memref<128x64xf32, #tpu.memory_space<vmem_shared>>)
      tpu.yield
    }) : () -> ()
    %add3A_22 = arith.constant 512 : i32
    %add3A_23 = arith.addi %mul3A_14, %add3A_22 : i32
    "tpu.region"() ({
      %run_scoped3A = tpu.sem_alloc : memref<!tpu.dma_semaphore, #tpu.memory_space<semaphore_mem>>
      %dma_start3A = arith.constant 0 : i32
      %dma_start3A_38 = arith.constant 0 : i32
      %dma_start3A_39 = tpu.memref_slice %arg10[%dma_start3A, %dma_start3A_38] : memref<128x64xf32, #tpu.memory_space<vmem>> -> memref<120x64xf32, #tpu.memory_space<vmem>>
      %dma_start3A_40 = arith.constant 0 : i32
      %dma_start3A_41 = tpu.memref_slice %arg12[%add3A_23, %dma_start3A_40] : memref<10112x64xf32, #tpu.memory_space<vmem_shared>> -> memref<120x64xf32, #tpu.memory_space<vmem_shared>>
      %dma_start3A_42 = arith.constant 0 : i32
      %dma_start3A_43 = tpu.memref_slice %arg12[%add3A_23, %dma_start3A_42] : memref<10112x64xf32, #tpu.memory_space<vmem_shared>> -> memref<120x64xf32, #tpu.memory_space<vmem_shared>>
      %dma_start3A_44 = arith.constant 0 : i32
      %dma_start3A_45 = arith.constant 0 : i32
      %dma_start3A_46 = tpu.memref_slice %arg10[%dma_start3A_44, %dma_start3A_45] : memref<128x64xf32, #tpu.memory_space<vmem>> -> memref<120x64xf32, #tpu.memory_space<vmem>>
      tpu.enqueue_dma source(%dma_start3A_46 : memref<120x64xf32, #tpu.memory_space<vmem>>) target(%dma_start3A_43 : memref<120x64xf32, #tpu.memory_space<vmem_shared>>) target_semaphore(%run_scoped3A : memref<!tpu.dma_semaphore, #tpu.memory_space<semaphore_mem>>)
      %dma_wait3A = arith.constant 0 : i32
      %dma_wait3A_47 = arith.constant 0 : i32
      %dma_wait3A_48 = tpu.memref_slice %arg10[%dma_wait3A, %dma_wait3A_47] : memref<128x64xf32, #tpu.memory_space<vmem>> -> memref<120x64xf32, #tpu.memory_space<vmem>>
      %dma_wait3A_49 = arith.constant 0 : i32
      %dma_wait3A_50 = tpu.memref_slice %arg12[%add3A_23, %dma_wait3A_49] : memref<10112x64xf32, #tpu.memory_space<vmem_shared>> -> memref<120x64xf32, #tpu.memory_space<vmem_shared>>
      %dma_wait3A_51 = arith.constant 0 : i32
      %dma_wait3A_52 = tpu.memref_slice %arg12[%add3A_23, %dma_wait3A_51] : memref<10112x64xf32, #tpu.memory_space<vmem_shared>> -> memref<120x64xf32, #tpu.memory_space<vmem_shared>>
      %dma_wait3A_53 = arith.constant 0 : i32
      %dma_wait3A_54 = arith.constant 0 : i32
      %dma_wait3A_55 = tpu.memref_slice %arg10[%dma_wait3A_53, %dma_wait3A_54] : memref<128x64xf32, #tpu.memory_space<vmem>> -> memref<120x64xf32, #tpu.memory_space<vmem>>
      tpu.wait_dma2 semaphore(%run_scoped3A : memref<!tpu.dma_semaphore, #tpu.memory_space<semaphore_mem>>) src(%dma_wait3A_55 : memref<120x64xf32, #tpu.memory_space<vmem>>) dst(%dma_wait3A_52 : memref<120x64xf32, #tpu.memory_space<vmem_shared>>)
      tpu.yield
    }) : () -> ()
    %eq3A = arith.constant 0 : i32
    %eq3A_24 = arith.cmpi eq, %arg1, %eq3A : i32
    %convert_element_type3A = arith.extui %eq3A_24 : i1 to i32
    %cond3A = arith.constant 0 : i32
    %cond3A_25 = arith.cmpi ne, %convert_element_type3A, %cond3A : i32
    scf.if %cond3A_25 {
      "tpu.region"() ({
        %run_scoped3A = tpu.sem_alloc : memref<!tpu.dma_semaphore, #tpu.memory_space<semaphore_mem>>
        %dma_start3A = arith.constant 0 : i32
        %dma_start3A_38 = arith.constant 0 : i32
        %dma_start3A_39 = tpu.memref_slice %arg3[%arg0, %dma_start3A, %dma_start3A_38] : memref<2x256x64xf32, #tpu.memory_space<hbm>> -> memref<1x256x64xf32, #tpu.memory_space<hbm>>
        %dma_start3A_40 = tpu.memref_squeeze %dma_start3A_39 : memref<1x256x64xf32, #tpu.memory_space<hbm>> -> memref<256x64xf32, #tpu.memory_space<hbm>>
        tpu.enqueue_dma source(%dma_start3A_40 : memref<256x64xf32, #tpu.memory_space<hbm>>) target(%arg13 : memref<256x64xf32, #tpu.memory_space<vmem_shared>>) target_semaphore(%run_scoped3A : memref<!tpu.dma_semaphore, #tpu.memory_space<semaphore_mem>>)
        %dma_wait3A = arith.constant 0 : i32
        %dma_wait3A_41 = arith.constant 0 : i32
        %dma_wait3A_42 = tpu.memref_slice %arg3[%arg0, %dma_wait3A, %dma_wait3A_41] : memref<2x256x64xf32, #tpu.memory_space<hbm>> -> memref<1x256x64xf32, #tpu.memory_space<hbm>>
        %dma_wait3A_43 = tpu.memref_squeeze %dma_wait3A_42 : memref<1x256x64xf32, #tpu.memory_space<hbm>> -> memref<256x64xf32, #tpu.memory_space<hbm>>
        tpu.wait_dma2 semaphore(%run_scoped3A : memref<!tpu.dma_semaphore, #tpu.memory_space<semaphore_mem>>) src(%dma_wait3A_43 : memref<256x64xf32, #tpu.memory_space<hbm>>) dst(%arg13 : memref<256x64xf32, #tpu.memory_space<vmem_shared>>)
        tpu.yield
      }) : () -> ()
    } else {
    }
    %barrier3A = arith.constant 0 : index
    tpu.barrier barrier_id(%barrier3A)
    %scan3A_26 = arith.constant 0 : i32
    %scan3A_27 = arith.constant 0 : i32
    %scan3A_28 = arith.constant 158 : i32
    %scan3A_29 = arith.addi %scan3A_27, %scan3A_28 : i32
    %scan3A_30 = arith.constant 1 : i32
    scf.for %scan3A_38 = %scan3A_27 to %scan3A_29 step %scan3A_30  : i32 {
      "tpu.region"() ({
        %run_scoped3A_79 = tpu.sem_alloc : memref<!tpu.dma_semaphore, #tpu.memory_space<semaphore_mem>>
        %dma_start3A_80 = arith.constant 0 : i32
        %dma_start3A_81 = arith.constant 0 : i32
        %dma_start3A_82 = arith.constant 0 : i32
        %dma_start3A_83 = tpu.memref_slice %arg4[%arg1, %dma_start3A_80, %dma_start3A_81, %dma_start3A_82] : memref<16x158x3x128xi32, #tpu.memory_space<hbm>> -> memref<1x158x3x128xi32, #tpu.memory_space<hbm>>
        %dma_start3A_84 = tpu.memref_squeeze %dma_start3A_83 : memref<1x158x3x128xi32, #tpu.memory_space<hbm>> -> memref<158x3x128xi32, #tpu.memory_space<hbm>>
        %dma_start3A_85 = arith.constant 0 : i32
        %dma_start3A_86 = arith.constant 0 : i32
        %dma_start3A_87 = tpu.memref_slice %dma_start3A_84[%scan3A_38, %dma_start3A_85, %dma_start3A_86] : memref<158x3x128xi32, #tpu.memory_space<hbm>> -> memref<1x3x128xi32, #tpu.memory_space<hbm>>
        %dma_start3A_88 = tpu.memref_squeeze %dma_start3A_87 : memref<1x3x128xi32, #tpu.memory_space<hbm>> -> memref<3x128xi32, #tpu.memory_space<hbm>>
        %dma_start3A_89 = arith.constant 0 : i32
        %dma_start3A_90 = arith.constant 0 : i32
        %dma_start3A_91 = arith.constant 0 : i32
        %dma_start3A_92 = tpu.memref_slice %arg4[%arg1, %dma_start3A_89, %dma_start3A_90, %dma_start3A_91] : memref<16x158x3x128xi32, #tpu.memory_space<hbm>> -> memref<1x158x3x128xi32, #tpu.memory_space<hbm>>
        %dma_start3A_93 = tpu.memref_squeeze %dma_start3A_92 : memref<1x158x3x128xi32, #tpu.memory_space<hbm>> -> memref<158x3x128xi32, #tpu.memory_space<hbm>>
        %dma_start3A_94 = arith.constant 0 : i32
        %dma_start3A_95 = arith.constant 0 : i32
        %dma_start3A_96 = tpu.memref_slice %dma_start3A_93[%scan3A_38, %dma_start3A_94, %dma_start3A_95] : memref<158x3x128xi32, #tpu.memory_space<hbm>> -> memref<1x3x128xi32, #tpu.memory_space<hbm>>
        %dma_start3A_97 = tpu.memref_squeeze %dma_start3A_96 : memref<1x3x128xi32, #tpu.memory_space<hbm>> -> memref<3x128xi32, #tpu.memory_space<hbm>>
        tpu.enqueue_dma source(%dma_start3A_97 : memref<3x128xi32, #tpu.memory_space<hbm>>) target(%arg7 : memref<3x128xi32, #tpu.memory_space<vmem>>) target_semaphore(%run_scoped3A_79 : memref<!tpu.dma_semaphore, #tpu.memory_space<semaphore_mem>>)
        %dma_wait3A_98 = arith.constant 0 : i32
        %dma_wait3A_99 = arith.constant 0 : i32
        %dma_wait3A_100 = arith.constant 0 : i32
        %dma_wait3A_101 = tpu.memref_slice %arg4[%arg1, %dma_wait3A_98, %dma_wait3A_99, %dma_wait3A_100] : memref<16x158x3x128xi32, #tpu.memory_space<hbm>> -> memref<1x158x3x128xi32, #tpu.memory_space<hbm>>
        %dma_wait3A_102 = tpu.memref_squeeze %dma_wait3A_101 : memref<1x158x3x128xi32, #tpu.memory_space<hbm>> -> memref<158x3x128xi32, #tpu.memory_space<hbm>>
        %dma_wait3A_103 = arith.constant 0 : i32
        %dma_wait3A_104 = arith.constant 0 : i32
        %dma_wait3A_105 = tpu.memref_slice %dma_wait3A_102[%scan3A_38, %dma_wait3A_103, %dma_wait3A_104] : memref<158x3x128xi32, #tpu.memory_space<hbm>> -> memref<1x3x128xi32, #tpu.memory_space<hbm>>
        %dma_wait3A_106 = tpu.memref_squeeze %dma_wait3A_105 : memref<1x3x128xi32, #tpu.memory_space<hbm>> -> memref<3x128xi32, #tpu.memory_space<hbm>>
        %dma_wait3A_107 = arith.constant 0 : i32
        %dma_wait3A_108 = arith.constant 0 : i32
        %dma_wait3A_109 = arith.constant 0 : i32
        %dma_wait3A_110 = tpu.memref_slice %arg4[%arg1, %dma_wait3A_107, %dma_wait3A_108, %dma_wait3A_109] : memref<16x158x3x128xi32, #tpu.memory_space<hbm>> -> memref<1x158x3x128xi32, #tpu.memory_space<hbm>>
        %dma_wait3A_111 = tpu.memref_squeeze %dma_wait3A_110 : memref<1x158x3x128xi32, #tpu.memory_space<hbm>> -> memref<158x3x128xi32, #tpu.memory_space<hbm>>
        %dma_wait3A_112 = arith.constant 0 : i32
        %dma_wait3A_113 = arith.constant 0 : i32
        %dma_wait3A_114 = tpu.memref_slice %dma_wait3A_111[%scan3A_38, %dma_wait3A_112, %dma_wait3A_113] : memref<158x3x128xi32, #tpu.memory_space<hbm>> -> memref<1x3x128xi32, #tpu.memory_space<hbm>>
        %dma_wait3A_115 = tpu.memref_squeeze %dma_wait3A_114 : memref<1x3x128xi32, #tpu.memory_space<hbm>> -> memref<3x128xi32, #tpu.memory_space<hbm>>
        tpu.wait_dma2 semaphore(%run_scoped3A_79 : memref<!tpu.dma_semaphore, #tpu.memory_space<semaphore_mem>>) src(%dma_wait3A_115 : memref<3x128xi32, #tpu.memory_space<hbm>>) dst(%arg7 : memref<3x128xi32, #tpu.memory_space<vmem>>)
        tpu.yield
      }) : () -> ()
      %dma_start3A = arith.constant 0 : i32
      %dma_start3A_39 = arith.constant 0 : i32
      %dma_start3A_40 = tpu.memref_slice %arg7[%dma_start3A, %dma_start3A_39] : memref<3x128xi32, #tpu.memory_space<vmem>> -> memref<1x128xi32, #tpu.memory_space<vmem>>
      %dma_start3A_41 = tpu.memref_squeeze %dma_start3A_40 : memref<1x128xi32, #tpu.memory_space<vmem>> -> memref<128xi32, #tpu.memory_space<vmem>>
      %dma_start3A_42 = arith.constant 0 : i32
      %dma_start3A_43 = arith.constant 0 : i32
      %dma_start3A_44 = tpu.memref_slice %arg2[%arg0, %dma_start3A_42, %dma_start3A_43] : memref<2x10000x64xf32, #tpu.memory_space<hbm>> -> memref<1x10000x64xf32, #tpu.memory_space<hbm>>
      %dma_start3A_45 = tpu.memref_squeeze %dma_start3A_44 : memref<1x10000x64xf32, #tpu.memory_space<hbm>> -> memref<10000x64xf32, #tpu.memory_space<hbm>>
      %dma_start3A_46 = arith.constant 0 : i32
      %dma_start3A_47 = arith.constant 0 : i32
      %dma_start3A_48 = tpu.memref_slice %dma_start3A_45[%dma_start3A_46, %dma_start3A_47] : memref<10000x64xf32, #tpu.memory_space<hbm>> -> memref<10000x64xf32, #tpu.memory_space<hbm>>
      tpu.enqueue_indirect_dma source(%dma_start3A_48 : memref<10000x64xf32, #tpu.memory_space<hbm>>) target(%arg8 : memref<128x64xf32, #tpu.memory_space<vmem>>) offsets(%dma_start3A_41 : memref<128xi32, #tpu.memory_space<vmem>>) semaphore(%arg14 : memref<!tpu.dma_semaphore, #tpu.memory_space<semaphore_mem>>)
      %dma_start3A_49 = arith.constant 2 : i32
      %dma_start3A_50 = arith.constant 0 : i32
      %dma_start3A_51 = tpu.memref_slice %arg7[%dma_start3A_49, %dma_start3A_50] : memref<3x128xi32, #tpu.memory_space<vmem>> -> memref<1x128xi32, #tpu.memory_space<vmem>>
      %dma_start3A_52 = tpu.memref_squeeze %dma_start3A_51 : memref<1x128xi32, #tpu.memory_space<vmem>> -> memref<128xi32, #tpu.memory_space<vmem>>
      %dma_start3A_53 = arith.constant 0 : i32
      %dma_start3A_54 = arith.constant 0 : i32
      %dma_start3A_55 = tpu.memref_slice %arg13[%dma_start3A_53, %dma_start3A_54] : memref<256x64xf32, #tpu.memory_space<vmem_shared>> -> memref<256x64xf32, #tpu.memory_space<vmem_shared>>
      tpu.enqueue_indirect_dma source(%dma_start3A_55 : memref<256x64xf32, #tpu.memory_space<vmem_shared>>) target(%arg9 : memref<128x64xf32, #tpu.memory_space<vmem>>) offsets(%dma_start3A_52 : memref<128xi32, #tpu.memory_space<vmem>>) semaphore(%arg15 : memref<!tpu.dma_semaphore, #tpu.memory_space<semaphore_mem>>)
      %dma_wait3A = arith.constant 0 : i32
      %dma_wait3A_56 = arith.constant 0 : i32
      %dma_wait3A_57 = tpu.memref_slice %arg7[%dma_wait3A, %dma_wait3A_56] : memref<3x128xi32, #tpu.memory_space<vmem>> -> memref<1x128xi32, #tpu.memory_space<vmem>>
      %dma_wait3A_58 = tpu.memref_squeeze %dma_wait3A_57 : memref<1x128xi32, #tpu.memory_space<vmem>> -> memref<128xi32, #tpu.memory_space<vmem>>
      %dma_wait3A_59 = arith.constant 0 : i32
      %dma_wait3A_60 = arith.constant 0 : i32
      %dma_wait3A_61 = tpu.memref_slice %arg2[%arg0, %dma_wait3A_59, %dma_wait3A_60] : memref<2x10000x64xf32, #tpu.memory_space<hbm>> -> memref<1x10000x64xf32, #tpu.memory_space<hbm>>
      %dma_wait3A_62 = tpu.memref_squeeze %dma_wait3A_61 : memref<1x10000x64xf32, #tpu.memory_space<hbm>> -> memref<10000x64xf32, #tpu.memory_space<hbm>>
      %dma_wait3A_63 = arith.constant 0 : i32
      %dma_wait3A_64 = arith.constant 0 : i32
      %dma_wait3A_65 = tpu.memref_slice %dma_wait3A_62[%dma_wait3A_63, %dma_wait3A_64] : memref<10000x64xf32, #tpu.memory_space<hbm>> -> memref<10000x64xf32, #tpu.memory_space<hbm>>
      tpu.wait_indirect_dma semaphore(%arg14 : memref<!tpu.dma_semaphore, #tpu.memory_space<semaphore_mem>>) src(%dma_wait3A_65 : memref<10000x64xf32, #tpu.memory_space<hbm>>) dst(%arg8 : memref<128x64xf32, #tpu.memory_space<vmem>>)
      %dma_wait3A_66 = arith.constant 2 : i32
      %dma_wait3A_67 = arith.constant 0 : i32
      %dma_wait3A_68 = tpu.memref_slice %arg7[%dma_wait3A_66, %dma_wait3A_67] : memref<3x128xi32, #tpu.memory_space<vmem>> -> memref<1x128xi32, #tpu.memory_space<vmem>>
      %dma_wait3A_69 = tpu.memref_squeeze %dma_wait3A_68 : memref<1x128xi32, #tpu.memory_space<vmem>> -> memref<128xi32, #tpu.memory_space<vmem>>
      %dma_wait3A_70 = arith.constant 0 : i32
      %dma_wait3A_71 = arith.constant 0 : i32
      %dma_wait3A_72 = tpu.memref_slice %arg13[%dma_wait3A_70, %dma_wait3A_71] : memref<256x64xf32, #tpu.memory_space<vmem_shared>> -> memref<256x64xf32, #tpu.memory_space<vmem_shared>>
      tpu.wait_indirect_dma semaphore(%arg15 : memref<!tpu.dma_semaphore, #tpu.memory_space<semaphore_mem>>) src(%dma_wait3A_72 : memref<256x64xf32, #tpu.memory_space<vmem_shared>>) dst(%arg9 : memref<128x64xf32, #tpu.memory_space<vmem>>)
      %run_scoped3A = arith.constant 1 : i32
      "tpu.region"() ({
        %run_scoped3A_79 = tpu.sem_alloc : memref<!tpu.dma_semaphore, #tpu.memory_space<semaphore_mem>>
        %dma_start3A_80 = arith.constant 0 : i32
        %dma_start3A_81 = tpu.memref_slice %arg7[%run_scoped3A, %dma_start3A_80] : memref<3x128xi32, #tpu.memory_space<vmem>> -> memref<1x128xi32, #tpu.memory_space<vmem>>
        %dma_start3A_82 = tpu.memref_squeeze %dma_start3A_81 : memref<1x128xi32, #tpu.memory_space<vmem>> -> memref<128xi32, #tpu.memory_space<vmem>>
        %dma_start3A_83 = arith.constant 0 : i32
        %dma_start3A_84 = arith.constant 0 : i32
        %dma_start3A_85 = tpu.memref_slice %arg12[%dma_start3A_83, %dma_start3A_84] : memref<10112x64xf32, #tpu.memory_space<vmem_shared>> -> memref<10112x64xf32, #tpu.memory_space<vmem_shared>>
        tpu.enqueue_indirect_dma source(%arg8 : memref<128x64xf32, #tpu.memory_space<vmem>>) target(%dma_start3A_85 : memref<10112x64xf32, #tpu.memory_space<vmem_shared>>) offsets(%dma_start3A_82 : memref<128xi32, #tpu.memory_space<vmem>>) semaphore(%run_scoped3A_79 : memref<!tpu.dma_semaphore, #tpu.memory_space<semaphore_mem>>) {add = true}
        %dma_wait3A_86 = arith.constant 0 : i32
        %dma_wait3A_87 = tpu.memref_slice %arg7[%run_scoped3A, %dma_wait3A_86] : memref<3x128xi32, #tpu.memory_space<vmem>> -> memref<1x128xi32, #tpu.memory_space<vmem>>
        %dma_wait3A_88 = tpu.memref_squeeze %dma_wait3A_87 : memref<1x128xi32, #tpu.memory_space<vmem>> -> memref<128xi32, #tpu.memory_space<vmem>>
        %dma_wait3A_89 = arith.constant 0 : i32
        %dma_wait3A_90 = arith.constant 0 : i32
        %dma_wait3A_91 = tpu.memref_slice %arg12[%dma_wait3A_89, %dma_wait3A_90] : memref<10112x64xf32, #tpu.memory_space<vmem_shared>> -> memref<10112x64xf32, #tpu.memory_space<vmem_shared>>
        tpu.wait_indirect_dma semaphore(%run_scoped3A_79 : memref<!tpu.dma_semaphore, #tpu.memory_space<semaphore_mem>>) src(%arg8 : memref<128x64xf32, #tpu.memory_space<vmem>>) dst(%dma_wait3A_91 : memref<10112x64xf32, #tpu.memory_space<vmem_shared>>)
        tpu.yield
      }) : () -> ()
      %run_scoped3A_73 = arith.constant 1 : i32
      "tpu.region"() ({
        %run_scoped3A_79 = tpu.sem_alloc : memref<!tpu.dma_semaphore, #tpu.memory_space<semaphore_mem>>
        %dma_start3A_80 = arith.constant 0 : i32
        %dma_start3A_81 = tpu.memref_slice %arg7[%run_scoped3A_73, %dma_start3A_80] : memref<3x128xi32, #tpu.memory_space<vmem>> -> memref<1x128xi32, #tpu.memory_space<vmem>>
        %dma_start3A_82 = tpu.memref_squeeze %dma_start3A_81 : memref<1x128xi32, #tpu.memory_space<vmem>> -> memref<128xi32, #tpu.memory_space<vmem>>
        %dma_start3A_83 = arith.constant 0 : i32
        %dma_start3A_84 = arith.constant 0 : i32
        %dma_start3A_85 = tpu.memref_slice %arg12[%dma_start3A_83, %dma_start3A_84] : memref<10112x64xf32, #tpu.memory_space<vmem_shared>> -> memref<10112x64xf32, #tpu.memory_space<vmem_shared>>
        tpu.enqueue_indirect_dma source(%arg9 : memref<128x64xf32, #tpu.memory_space<vmem>>) target(%dma_start3A_85 : memref<10112x64xf32, #tpu.memory_space<vmem_shared>>) offsets(%dma_start3A_82 : memref<128xi32, #tpu.memory_space<vmem>>) semaphore(%run_scoped3A_79 : memref<!tpu.dma_semaphore, #tpu.memory_space<semaphore_mem>>) {add = true}
        %dma_wait3A_86 = arith.constant 0 : i32
        %dma_wait3A_87 = tpu.memref_slice %arg7[%run_scoped3A_73, %dma_wait3A_86] : memref<3x128xi32, #tpu.memory_space<vmem>> -> memref<1x128xi32, #tpu.memory_space<vmem>>
        %dma_wait3A_88 = tpu.memref_squeeze %dma_wait3A_87 : memref<1x128xi32, #tpu.memory_space<vmem>> -> memref<128xi32, #tpu.memory_space<vmem>>
        %dma_wait3A_89 = arith.constant 0 : i32
        %dma_wait3A_90 = arith.constant 0 : i32
        %dma_wait3A_91 = tpu.memref_slice %arg12[%dma_wait3A_89, %dma_wait3A_90] : memref<10112x64xf32, #tpu.memory_space<vmem_shared>> -> memref<10112x64xf32, #tpu.memory_space<vmem_shared>>
        tpu.wait_indirect_dma semaphore(%run_scoped3A_79 : memref<!tpu.dma_semaphore, #tpu.memory_space<semaphore_mem>>) src(%arg9 : memref<128x64xf32, #tpu.memory_space<vmem>>) dst(%dma_wait3A_91 : memref<10112x64xf32, #tpu.memory_space<vmem_shared>>)
        tpu.yield
      }) : () -> ()
      %eq3A_74 = arith.constant 0 : i32
      %eq3A_75 = arith.cmpi eq, %arg0, %eq3A_74 : i32
      %convert_element_type3A_76 = arith.extui %eq3A_75 : i1 to i32
      %cond3A_77 = arith.constant 0 : i32
      %cond3A_78 = arith.cmpi ne, %convert_element_type3A_76, %cond3A_77 : i32
      scf.if %cond3A_78 {
        %get3A = arith.constant 1 : i32
        %get3A_79 = arith.index_cast %get3A : i32 to index
        %get3A_80 = arith.constant 0 : index
        %get3A_81 = tpu.vector_load %arg7[%get3A_79, %get3A_80] {strides = array<i32>} : memref<3x128xi32, #tpu.memory_space<vmem>>, vector<16xi32>,
        tpu.vector_store_idx %arg11[%get3A_81], %broadcast_in_dim3A_2 {add = true} : memref<10112xf32, #tpu.memory_space<vmem>>[vector<16xi32>], vector<16xf32>,
        %get3A_82 = arith.constant 1 : i32
        %get3A_83 = arith.index_cast %get3A_82 : i32 to index
        %get3A_84 = arith.constant 16 : index
        %get3A_85 = tpu.vector_load %arg7[%get3A_83, %get3A_84] {strides = array<i32>} : memref<3x128xi32, #tpu.memory_space<vmem>>, vector<16xi32>,
        tpu.vector_store_idx %arg11[%get3A_85], %broadcast_in_dim3A_2 {add = true} : memref<10112xf32, #tpu.memory_space<vmem>>[vector<16xi32>], vector<16xf32>,
        %get3A_86 = arith.constant 1 : i32
        %get3A_87 = arith.index_cast %get3A_86 : i32 to index
        %get3A_88 = arith.constant 32 : index
        %get3A_89 = tpu.vector_load %arg7[%get3A_87, %get3A_88] {strides = array<i32>} : memref<3x128xi32, #tpu.memory_space<vmem>>, vector<16xi32>,
        tpu.vector_store_idx %arg11[%get3A_89], %broadcast_in_dim3A_2 {add = true} : memref<10112xf32, #tpu.memory_space<vmem>>[vector<16xi32>], vector<16xf32>,
        %get3A_90 = arith.constant 1 : i32
        %get3A_91 = arith.index_cast %get3A_90 : i32 to index
        %get3A_92 = arith.constant 48 : index
        %get3A_93 = tpu.vector_load %arg7[%get3A_91, %get3A_92] {strides = array<i32>} : memref<3x128xi32, #tpu.memory_space<vmem>>, vector<16xi32>,
        tpu.vector_store_idx %arg11[%get3A_93], %broadcast_in_dim3A_2 {add = true} : memref<10112xf32, #tpu.memory_space<vmem>>[vector<16xi32>], vector<16xf32>,
        %get3A_94 = arith.constant 1 : i32
        %get3A_95 = arith.index_cast %get3A_94 : i32 to index
        %get3A_96 = arith.constant 64 : index
        %get3A_97 = tpu.vector_load %arg7[%get3A_95, %get3A_96] {strides = array<i32>} : memref<3x128xi32, #tpu.memory_space<vmem>>, vector<16xi32>,
        tpu.vector_store_idx %arg11[%get3A_97], %broadcast_in_dim3A_2 {add = true} : memref<10112xf32, #tpu.memory_space<vmem>>[vector<16xi32>], vector<16xf32>,
        %get3A_98 = arith.constant 1 : i32
        %get3A_99 = arith.index_cast %get3A_98 : i32 to index
        %get3A_100 = arith.constant 80 : index
        %get3A_101 = tpu.vector_load %arg7[%get3A_99, %get3A_100] {strides = array<i32>} : memref<3x128xi32, #tpu.memory_space<vmem>>, vector<16xi32>,
        tpu.vector_store_idx %arg11[%get3A_101], %broadcast_in_dim3A_2 {add = true} : memref<10112xf32, #tpu.memory_space<vmem>>[vector<16xi32>], vector<16xf32>,
        %get3A_102 = arith.constant 1 : i32
        %get3A_103 = arith.index_cast %get3A_102 : i32 to index
        %get3A_104 = arith.constant 96 : index
        %get3A_105 = tpu.vector_load %arg7[%get3A_103, %get3A_104] {strides = array<i32>} : memref<3x128xi32, #tpu.memory_space<vmem>>, vector<16xi32>,
        tpu.vector_store_idx %arg11[%get3A_105], %broadcast_in_dim3A_2 {add = true} : memref<10112xf32, #tpu.memory_space<vmem>>[vector<16xi32>], vector<16xf32>,
        %get3A_106 = arith.constant 1 : i32
        %get3A_107 = arith.index_cast %get3A_106 : i32 to index
        %get3A_108 = arith.constant 112 : index
        %get3A_109 = tpu.vector_load %arg7[%get3A_107, %get3A_108] {strides = array<i32>} : memref<3x128xi32, #tpu.memory_space<vmem>>, vector<16xi32>,
        tpu.vector_store_idx %arg11[%get3A_109], %broadcast_in_dim3A_2 {add = true} : memref<10112xf32, #tpu.memory_space<vmem>>[vector<16xi32>], vector<16xf32>,
      } else {
      }
    }
    %scan3A_31 = arith.constant 158 : i32
    %barrier3A_32 = arith.constant 0 : index
    tpu.barrier barrier_id(%barrier3A_32)
    "tpu.region"() ({
      %run_scoped3A = tpu.sem_alloc : memref<!tpu.dma_semaphore, #tpu.memory_space<semaphore_mem>>
      %dma_start3A = arith.constant 0 : i32
      %dma_start3A_38 = tpu.memref_slice %arg5[%arg0, %mul3A_14, %dma_start3A] : memref<2x10112x64xf32, #tpu.memory_space<hbm>> -> memref<1x632x64xf32, #tpu.memory_space<hbm>>
      %dma_start3A_39 = tpu.memref_squeeze %dma_start3A_38 : memref<1x632x64xf32, #tpu.memory_space<hbm>> -> memref<632x64xf32, #tpu.memory_space<hbm>>
      %dma_start3A_40 = arith.constant 0 : i32
      %dma_start3A_41 = tpu.memref_slice %arg12[%mul3A_14, %dma_start3A_40] : memref<10112x64xf32, #tpu.memory_space<vmem_shared>> -> memref<632x64xf32, #tpu.memory_space<vmem_shared>>
      tpu.enqueue_dma source(%dma_start3A_41 : memref<632x64xf32, #tpu.memory_space<vmem_shared>>) target(%dma_start3A_39 : memref<632x64xf32, #tpu.memory_space<hbm>>) target_semaphore(%run_scoped3A : memref<!tpu.dma_semaphore, #tpu.memory_space<semaphore_mem>>)
      %dma_wait3A = arith.constant 0 : i32
      %dma_wait3A_42 = tpu.memref_slice %arg5[%arg0, %mul3A_14, %dma_wait3A] : memref<2x10112x64xf32, #tpu.memory_space<hbm>> -> memref<1x632x64xf32, #tpu.memory_space<hbm>>
      %dma_wait3A_43 = tpu.memref_squeeze %dma_wait3A_42 : memref<1x632x64xf32, #tpu.memory_space<hbm>> -> memref<632x64xf32, #tpu.memory_space<hbm>>
      %dma_wait3A_44 = arith.constant 0 : i32
      %dma_wait3A_45 = tpu.memref_slice %arg12[%mul3A_14, %dma_wait3A_44] : memref<10112x64xf32, #tpu.memory_space<vmem_shared>> -> memref<632x64xf32, #tpu.memory_space<vmem_shared>>
      tpu.wait_dma2 semaphore(%run_scoped3A : memref<!tpu.dma_semaphore, #tpu.memory_space<semaphore_mem>>) src(%dma_wait3A_45 : memref<632x64xf32, #tpu.memory_space<vmem_shared>>) dst(%dma_wait3A_43 : memref<632x64xf32, #tpu.memory_space<hbm>>)
      tpu.yield
    }) : () -> ()
    %eq3A_33 = arith.constant 0 : i32
    %eq3A_34 = arith.cmpi eq, %arg0, %eq3A_33 : i32
    %convert_element_type3A_35 = arith.extui %eq3A_34 : i1 to i32
    %cond3A_36 = arith.constant 0 : i32
    %cond3A_37 = arith.cmpi ne, %convert_element_type3A_35, %cond3A_36 : i32
    scf.if %cond3A_37 {
      "tpu.region"() ({
        %run_scoped3A = tpu.sem_alloc : memref<!tpu.dma_semaphore, #tpu.memory_space<semaphore_mem>>
        %dma_start3A = arith.constant 0 : i32
        %dma_start3A_38 = tpu.memref_slice %arg6[%arg1, %dma_start3A] : memref<16x10112xf32, #tpu.memory_space<hbm>> -> memref<1x10112xf32, #tpu.memory_space<hbm>>
        %dma_start3A_39 = tpu.memref_squeeze %dma_start3A_38 : memref<1x10112xf32, #tpu.memory_space<hbm>> -> memref<10112xf32, #tpu.memory_space<hbm>>
        %dma_start3A_40 = arith.constant 0 : i32
        %dma_start3A_41 = tpu.memref_slice %arg6[%arg1, %dma_start3A_40] : memref<16x10112xf32, #tpu.memory_space<hbm>> -> memref<1x10112xf32, #tpu.memory_space<hbm>>
        %dma_start3A_42 = tpu.memref_squeeze %dma_start3A_41 : memref<1x10112xf32, #tpu.memory_space<hbm>> -> memref<10112xf32, #tpu.memory_space<hbm>>
        tpu.enqueue_dma source(%arg11 : memref<10112xf32, #tpu.memory_space<vmem>>) target(%dma_start3A_42 : memref<10112xf32, #tpu.memory_space<hbm>>) target_semaphore(%run_scoped3A : memref<!tpu.dma_semaphore, #tpu.memory_space<semaphore_mem>>)
        %dma_wait3A = arith.constant 0 : i32
        %dma_wait3A_43 = tpu.memref_slice %arg6[%arg1, %dma_wait3A] : memref<16x10112xf32, #tpu.memory_space<hbm>> -> memref<1x10112xf32, #tpu.memory_space<hbm>>
        %dma_wait3A_44 = tpu.memref_squeeze %dma_wait3A_43 : memref<1x10112xf32, #tpu.memory_space<hbm>> -> memref<10112xf32, #tpu.memory_space<hbm>>
        %dma_wait3A_45 = arith.constant 0 : i32
        %dma_wait3A_46 = tpu.memref_slice %arg6[%arg1, %dma_wait3A_45] : memref<16x10112xf32, #tpu.memory_space<hbm>> -> memref<1x10112xf32, #tpu.memory_space<hbm>>
        %dma_wait3A_47 = tpu.memref_squeeze %dma_wait3A_46 : memref<1x10112xf32, #tpu.memory_space<hbm>> -> memref<10112xf32, #tpu.memory_space<hbm>>
        tpu.wait_dma2 semaphore(%run_scoped3A : memref<!tpu.dma_semaphore, #tpu.memory_space<semaphore_mem>>) src(%arg11 : memref<10112xf32, #tpu.memory_space<vmem>>) dst(%dma_wait3A_47 : memref<10112xf32, #tpu.memory_space<hbm>>)
        tpu.yield
      }) : () -> ()
    } else {
    }
    return
  }
}

module attributes {stable_mosaic.version = 14 : i64} {
  func.func @_tc_rel_body(%arg0: memref<256x128xf32, #tpu.memory_space<vmem>>, %arg1: memref<128x128xf32, #tpu.memory_space<vmem>>, %arg2: memref<1x128xf32, #tpu.memory_space<vmem>>, %arg3: memref<1x128xf32, #tpu.memory_space<vmem>>, %arg4: memref<128x128xf32, #tpu.memory_space<vmem>>, %arg5: memref<1x128xf32, #tpu.memory_space<vmem>>, %arg6: memref<1x128xf32, #tpu.memory_space<vmem>>, %arg7: memref<256x128xf32, #tpu.memory_space<vmem>>, %arg8: memref<2x256x64xf32, #tpu.memory_space<vmem>>, %arg9: memref<2x256x64xf32, #tpu.memory_space<vmem>>, %arg10: memref<256x128xf32, #tpu.memory_space<vmem>>) attributes {dimension_semantics = [], scalar_prefetch = 0 : i64, scratch_operands = 0 : i64, tpu.core_type = #tpu.core_type<tc>} {
    %get3A = arith.constant 0 : index
    %get3A_0 = arith.constant 0 : index
    %get3A_1 = vector.load %arg0[%get3A, %get3A_0] : memref<256x128xf32, #tpu.memory_space<vmem>>, vector<256x128xf32>
    %neg3A = arith.constant 0.000000e+00 : f32
    %neg3A_2 = vector.broadcast %neg3A : f32 to vector<256x128xf32>
    %neg3A_3 = arith.subf %neg3A_2, %get3A_1 : vector<256x128xf32>
    %slice3A = vector.extract_strided_slice %neg3A_3 {offsets = [0, 0], sizes = [256, 64], strides = [1, 1]} : vector<256x128xf32> to vector<256x64xf32>
    %swap3A = arith.constant 0 : index
    %swap3A_4 = arith.constant 0 : index
    %swap3A_5 = arith.constant 0 : index
    %swap3A_6 = vector.load %arg8[%swap3A, %swap3A_4, %swap3A_5] : memref<2x256x64xf32, #tpu.memory_space<vmem>>, vector<1x256x64xf32>
    %swap3A_7 = vector.shape_cast %swap3A_6 : vector<1x256x64xf32> to vector<256x64xf32>
    %swap3A_8 = vector.shape_cast %slice3A : vector<256x64xf32> to vector<1x256x64xf32>
    tpu.vector_store %arg8[%swap3A, %swap3A_4, %swap3A_5], %swap3A_8 {strides = array<i32>} : memref<2x256x64xf32, #tpu.memory_space<vmem>>, vector<1x256x64xf32>,
    %slice3A_9 = vector.extract_strided_slice %neg3A_3 {offsets = [0, 64], sizes = [256, 64], strides = [1, 1]} : vector<256x128xf32> to vector<256x64xf32>
    %swap3A_10 = arith.constant 1 : index
    %swap3A_11 = arith.constant 0 : index
    %swap3A_12 = arith.constant 0 : index
    %swap3A_13 = vector.load %arg8[%swap3A_10, %swap3A_11, %swap3A_12] : memref<2x256x64xf32, #tpu.memory_space<vmem>>, vector<1x256x64xf32>
    %swap3A_14 = vector.shape_cast %swap3A_13 : vector<1x256x64xf32> to vector<256x64xf32>
    %swap3A_15 = vector.shape_cast %slice3A_9 : vector<256x64xf32> to vector<1x256x64xf32>
    tpu.vector_store %arg8[%swap3A_10, %swap3A_11, %swap3A_12], %swap3A_15 {strides = array<i32>} : memref<2x256x64xf32, #tpu.memory_space<vmem>>, vector<1x256x64xf32>,
    %get3A_16 = arith.constant 0 : index
    %get3A_17 = arith.constant 0 : index
    %get3A_18 = vector.load %arg1[%get3A_16, %get3A_17] : memref<128x128xf32, #tpu.memory_space<vmem>>, vector<128x128xf32>
    %dot_general3A = arith.constant dense<0.000000e+00> : vector<256x128xf32>
    %dot_general3A_19 = tpu.matmul %get3A_1, %get3A_18, %dot_general3A {dimension_numbers = #tpu.dot_dimension_numbers<[1], [0], [0], [1], [0, 0, 1, 1], [], []>, transpose_lhs_hint = false} : vector<256x128xf32>, vector<128x128xf32>, vector<256x128xf32> -> vector<256x128xf32>
    %get3A_20 = arith.constant 0 : index
    %get3A_21 = arith.constant 0 : index
    %get3A_22 = vector.load %arg2[%get3A_20, %get3A_21] : memref<1x128xf32, #tpu.memory_space<vmem>>, vector<1x128xf32>
    %get3A_23 = arith.constant 0 : index
    %get3A_24 = arith.constant 0 : index
    %get3A_25 = vector.load %arg3[%get3A_23, %get3A_24] : memref<1x128xf32, #tpu.memory_space<vmem>>, vector<1x128xf32>
    %reduce_sum3A = arith.constant dense<0.000000e+00> : vector<256xf32>
    %reduce_sum3A_26 = vector.multi_reduction <add>, %dot_general3A_19, %reduce_sum3A [1] : vector<256x128xf32> to vector<256xf32>
    %broadcast_in_dim3A = vector.shape_cast %reduce_sum3A_26 : vector<256xf32> to vector<256x1xf32>
    %div3A = arith.constant 1.280000e+02 : f32
    %div3A_27 = vector.broadcast %div3A : f32 to vector<256x1xf32>
    %div3A_28 = arith.divf %broadcast_in_dim3A, %div3A_27 : vector<256x1xf32>
    %sub3A = vector.broadcast %div3A_28 : vector<256x1xf32> to vector<256x128xf32>
    %sub3A_29 = arith.subf %dot_general3A_19, %sub3A : vector<256x128xf32>
    %integer_pow3A = arith.mulf %sub3A_29, %sub3A_29 : vector<256x128xf32>
    %reduce_sum3A_30 = arith.constant dense<0.000000e+00> : vector<256xf32>
    %reduce_sum3A_31 = vector.multi_reduction <add>, %integer_pow3A, %reduce_sum3A_30 [1] : vector<256x128xf32> to vector<256xf32>
    %broadcast_in_dim3A_32 = vector.shape_cast %reduce_sum3A_31 : vector<256xf32> to vector<256x1xf32>
    %div3A_33 = arith.constant 1.280000e+02 : f32
    %div3A_34 = vector.broadcast %div3A_33 : f32 to vector<256x1xf32>
    %div3A_35 = arith.divf %broadcast_in_dim3A_32, %div3A_34 : vector<256x1xf32>
    %sub3A_36 = vector.broadcast %div3A_28 : vector<256x1xf32> to vector<256x128xf32>
    %sub3A_37 = arith.subf %dot_general3A_19, %sub3A_36 : vector<256x128xf32>
    %add3A = arith.constant 9.99999974E-6 : f32
    %add3A_38 = vector.broadcast %add3A : f32 to vector<256x1xf32>
    %add3A_39 = arith.addf %div3A_35, %add3A_38 : vector<256x1xf32>
    %sqrt3A = math.sqrt %add3A_39 : vector<256x1xf32>
    %div3A_40 = vector.broadcast %sqrt3A : vector<256x1xf32> to vector<256x128xf32>
    %div3A_41 = arith.divf %sub3A_37, %div3A_40 : vector<256x128xf32>
    %mul3A = vector.broadcast %get3A_22 : vector<1x128xf32> to vector<256x128xf32>
    %mul3A_42 = arith.mulf %div3A_41, %mul3A : vector<256x128xf32>
    %add3A_43 = vector.broadcast %get3A_25 : vector<1x128xf32> to vector<256x128xf32>
    %add3A_44 = arith.addf %mul3A_42, %add3A_43 : vector<256x128xf32>
    %tanh3A = math.tanh %add3A_44 : vector<256x128xf32>
    %swap3A_45 = arith.constant 0 : index
    %swap3A_46 = arith.constant 0 : index
    %swap3A_47 = vector.load %arg7[%swap3A_45, %swap3A_46] : memref<256x128xf32, #tpu.memory_space<vmem>>, vector<256x128xf32>
    tpu.vector_store %arg7[%swap3A_45, %swap3A_46], %tanh3A {strides = array<i32>} : memref<256x128xf32, #tpu.memory_space<vmem>>, vector<256x128xf32>,
    %neg3A_48 = arith.constant 0.000000e+00 : f32
    %neg3A_49 = vector.broadcast %neg3A_48 : f32 to vector<256x128xf32>
    %neg3A_50 = arith.subf %neg3A_49, %tanh3A : vector<256x128xf32>
    %slice3A_51 = vector.extract_strided_slice %neg3A_50 {offsets = [0, 0], sizes = [256, 64], strides = [1, 1]} : vector<256x128xf32> to vector<256x64xf32>
    %swap3A_52 = arith.constant 0 : index
    %swap3A_53 = arith.constant 0 : index
    %swap3A_54 = arith.constant 0 : index
    %swap3A_55 = vector.load %arg9[%swap3A_52, %swap3A_53, %swap3A_54] : memref<2x256x64xf32, #tpu.memory_space<vmem>>, vector<1x256x64xf32>
    %swap3A_56 = vector.shape_cast %swap3A_55 : vector<1x256x64xf32> to vector<256x64xf32>
    %swap3A_57 = vector.shape_cast %slice3A_51 : vector<256x64xf32> to vector<1x256x64xf32>
    tpu.vector_store %arg9[%swap3A_52, %swap3A_53, %swap3A_54], %swap3A_57 {strides = array<i32>} : memref<2x256x64xf32, #tpu.memory_space<vmem>>, vector<1x256x64xf32>,
    %slice3A_58 = vector.extract_strided_slice %neg3A_50 {offsets = [0, 64], sizes = [256, 64], strides = [1, 1]} : vector<256x128xf32> to vector<256x64xf32>
    %swap3A_59 = arith.constant 1 : index
    %swap3A_60 = arith.constant 0 : index
    %swap3A_61 = arith.constant 0 : index
    %swap3A_62 = vector.load %arg9[%swap3A_59, %swap3A_60, %swap3A_61] : memref<2x256x64xf32, #tpu.memory_space<vmem>>, vector<1x256x64xf32>
    %swap3A_63 = vector.shape_cast %swap3A_62 : vector<1x256x64xf32> to vector<256x64xf32>
    %swap3A_64 = vector.shape_cast %slice3A_58 : vector<256x64xf32> to vector<1x256x64xf32>
    tpu.vector_store %arg9[%swap3A_59, %swap3A_60, %swap3A_61], %swap3A_64 {strides = array<i32>} : memref<2x256x64xf32, #tpu.memory_space<vmem>>, vector<1x256x64xf32>,
    %get3A_65 = arith.constant 0 : index
    %get3A_66 = arith.constant 0 : index
    %get3A_67 = vector.load %arg4[%get3A_65, %get3A_66] : memref<128x128xf32, #tpu.memory_space<vmem>>, vector<128x128xf32>
    %dot_general3A_68 = arith.constant dense<0.000000e+00> : vector<256x128xf32>
    %dot_general3A_69 = tpu.matmul %tanh3A, %get3A_67, %dot_general3A_68 {dimension_numbers = #tpu.dot_dimension_numbers<[1], [0], [0], [1], [0, 0, 1, 1], [], []>, transpose_lhs_hint = false} : vector<256x128xf32>, vector<128x128xf32>, vector<256x128xf32> -> vector<256x128xf32>
    %get3A_70 = arith.constant 0 : index
    %get3A_71 = arith.constant 0 : index
    %get3A_72 = vector.load %arg5[%get3A_70, %get3A_71] : memref<1x128xf32, #tpu.memory_space<vmem>>, vector<1x128xf32>
    %get3A_73 = arith.constant 0 : index
    %get3A_74 = arith.constant 0 : index
    %get3A_75 = vector.load %arg6[%get3A_73, %get3A_74] : memref<1x128xf32, #tpu.memory_space<vmem>>, vector<1x128xf32>
    %reduce_sum3A_76 = arith.constant dense<0.000000e+00> : vector<256xf32>
    %reduce_sum3A_77 = vector.multi_reduction <add>, %dot_general3A_69, %reduce_sum3A_76 [1] : vector<256x128xf32> to vector<256xf32>
    %broadcast_in_dim3A_78 = vector.shape_cast %reduce_sum3A_77 : vector<256xf32> to vector<256x1xf32>
    %div3A_79 = arith.constant 1.280000e+02 : f32
    %div3A_80 = vector.broadcast %div3A_79 : f32 to vector<256x1xf32>
    %div3A_81 = arith.divf %broadcast_in_dim3A_78, %div3A_80 : vector<256x1xf32>
    %sub3A_82 = vector.broadcast %div3A_81 : vector<256x1xf32> to vector<256x128xf32>
    %sub3A_83 = arith.subf %dot_general3A_69, %sub3A_82 : vector<256x128xf32>
    %integer_pow3A_84 = arith.mulf %sub3A_83, %sub3A_83 : vector<256x128xf32>
    %reduce_sum3A_85 = arith.constant dense<0.000000e+00> : vector<256xf32>
    %reduce_sum3A_86 = vector.multi_reduction <add>, %integer_pow3A_84, %reduce_sum3A_85 [1] : vector<256x128xf32> to vector<256xf32>
    %broadcast_in_dim3A_87 = vector.shape_cast %reduce_sum3A_86 : vector<256xf32> to vector<256x1xf32>
    %div3A_88 = arith.constant 1.280000e+02 : f32
    %div3A_89 = vector.broadcast %div3A_88 : f32 to vector<256x1xf32>
    %div3A_90 = arith.divf %broadcast_in_dim3A_87, %div3A_89 : vector<256x1xf32>
    %sub3A_91 = vector.broadcast %div3A_81 : vector<256x1xf32> to vector<256x128xf32>
    %sub3A_92 = arith.subf %dot_general3A_69, %sub3A_91 : vector<256x128xf32>
    %add3A_93 = arith.constant 9.99999974E-6 : f32
    %add3A_94 = vector.broadcast %add3A_93 : f32 to vector<256x1xf32>
    %add3A_95 = arith.addf %div3A_90, %add3A_94 : vector<256x1xf32>
    %sqrt3A_96 = math.sqrt %add3A_95 : vector<256x1xf32>
    %div3A_97 = vector.broadcast %sqrt3A_96 : vector<256x1xf32> to vector<256x128xf32>
    %div3A_98 = arith.divf %sub3A_92, %div3A_97 : vector<256x128xf32>
    %mul3A_99 = vector.broadcast %get3A_72 : vector<1x128xf32> to vector<256x128xf32>
    %mul3A_100 = arith.mulf %div3A_98, %mul3A_99 : vector<256x128xf32>
    %add3A_101 = vector.broadcast %get3A_75 : vector<1x128xf32> to vector<256x128xf32>
    %add3A_102 = arith.addf %mul3A_100, %add3A_101 : vector<256x128xf32>
    %tanh3A_103 = math.tanh %add3A_102 : vector<256x128xf32>
    %swap3A_104 = arith.constant 0 : index
    %swap3A_105 = arith.constant 0 : index
    %swap3A_106 = vector.load %arg10[%swap3A_104, %swap3A_105] : memref<256x128xf32, #tpu.memory_space<vmem>>, vector<256x128xf32>
    tpu.vector_store %arg10[%swap3A_104, %swap3A_105], %tanh3A_103 {strides = array<i32>} : memref<256x128xf32, #tpu.memory_space<vmem>>, vector<256x128xf32>,
    return
  }
}

module attributes {stable_mosaic.version = 14 : i64} {
  func.func @_tc_x_body(%arg0: i32, %arg1: memref<2x1024x64xf32, #tpu.memory_space<vmem>>, %arg2: memref<16x1024xf32, #tpu.memory_space<vmem>>, %arg3: memref<1x128xf32, #tpu.memory_space<vmem>>, %arg4: memref<128x128xf32, #tpu.memory_space<vmem>>, %arg5: memref<1x128xf32, #tpu.memory_space<vmem>>, %arg6: memref<1x128xf32, #tpu.memory_space<vmem>>, %arg7: memref<1x128xf32, #tpu.memory_space<vmem>>, %arg8: memref<128x128xf32, #tpu.memory_space<vmem>>, %arg9: memref<1x128xf32, #tpu.memory_space<vmem>>, %arg10: memref<1x128xf32, #tpu.memory_space<vmem>>, %arg11: memref<1024x128xf32, #tpu.memory_space<vmem>>, %arg12: memref<2x1024x64xf32, #tpu.memory_space<vmem>>) attributes {dimension_semantics = [#tpu.dimension_semantics<arbitrary>], iteration_bounds = array<i64: 10>, scalar_prefetch = 0 : i64, scratch_operands = 0 : i64, tpu.core_type = #tpu.core_type<tc>, window_params = [{transform_indices = @transform_0, window_bounds = array<i64: 2, 1024, 64>}, {transform_indices = @transform_1, window_bounds = array<i64: 16, 1024>}, {pipeline_mode = #tpu.pipeline_mode<synchronous>, transform_indices = @transform_2, window_bounds = array<i64: 1, 128>}, {pipeline_mode = #tpu.pipeline_mode<synchronous>, transform_indices = @transform_3, window_bounds = array<i64: 128, 128>}, {pipeline_mode = #tpu.pipeline_mode<synchronous>, transform_indices = @transform_4, window_bounds = array<i64: 1, 128>}, {pipeline_mode = #tpu.pipeline_mode<synchronous>, transform_indices = @transform_5, window_bounds = array<i64: 1, 128>}, {pipeline_mode = #tpu.pipeline_mode<synchronous>, transform_indices = @transform_6, window_bounds = array<i64: 1, 128>}, {pipeline_mode = #tpu.pipeline_mode<synchronous>, transform_indices = @transform_7, window_bounds = array<i64: 128, 128>}, {pipeline_mode = #tpu.pipeline_mode<synchronous>, transform_indices = @transform_8, window_bounds = array<i64: 1, 128>}, {pipeline_mode = #tpu.pipeline_mode<synchronous>, transform_indices = @transform_9, window_bounds = array<i64: 1, 128>}, {transform_indices = @transform_10, window_bounds = array<i64: 1024, 128>}, {transform_indices = @transform_11, window_bounds = array<i64: 2, 1024, 64>}]} {
    %get3A = arith.constant 0 : index
    %get3A_0 = arith.constant 0 : index
    %get3A_1 = vector.load %arg3[%get3A, %get3A_0] : memref<1x128xf32, #tpu.memory_space<vmem>>, vector<1x128xf32>
    %get3A_2 = arith.constant 0 : index
    %get3A_3 = arith.constant 0 : index
    %get3A_4 = vector.load %arg4[%get3A_2, %get3A_3] : memref<128x128xf32, #tpu.memory_space<vmem>>, vector<128x128xf32>
    %dot_general3A = arith.constant dense<0.000000e+00> : vector<1x128xf32>
    %dot_general3A_5 = tpu.matmul %get3A_1, %get3A_4, %dot_general3A {dimension_numbers = #tpu.dot_dimension_numbers<[1], [0], [0], [1], [0, 0, 1, 1], [], []>, transpose_lhs_hint = false} : vector<1x128xf32>, vector<128x128xf32>, vector<1x128xf32> -> vector<1x128xf32>
    %get3A_6 = arith.constant 0 : index
    %get3A_7 = arith.constant 0 : index
    %get3A_8 = vector.load %arg5[%get3A_6, %get3A_7] : memref<1x128xf32, #tpu.memory_space<vmem>>, vector<1x128xf32>
    %add3A = arith.addf %dot_general3A_5, %get3A_8 : vector<1x128xf32>
    %get3A_9 = arith.constant 0 : index
    %get3A_10 = arith.constant 0 : index
    %get3A_11 = vector.load %arg6[%get3A_9, %get3A_10] : memref<1x128xf32, #tpu.memory_space<vmem>>, vector<1x128xf32>
    %get3A_12 = arith.constant 0 : index
    %get3A_13 = arith.constant 0 : index
    %get3A_14 = vector.load %arg7[%get3A_12, %get3A_13] : memref<1x128xf32, #tpu.memory_space<vmem>>, vector<1x128xf32>
    %reduce_sum3A = arith.constant dense<0.000000e+00> : vector<1xf32>
    %reduce_sum3A_15 = vector.multi_reduction <add>, %add3A, %reduce_sum3A [1] : vector<1x128xf32> to vector<1xf32>
    %broadcast_in_dim3A = vector.shape_cast %reduce_sum3A_15 : vector<1xf32> to vector<1x1xf32>
    %div3A = arith.constant 1.280000e+02 : f32
    %div3A_16 = vector.broadcast %div3A : f32 to vector<1x1xf32>
    %div3A_17 = arith.divf %broadcast_in_dim3A, %div3A_16 : vector<1x1xf32>
    %sub3A = vector.broadcast %div3A_17 : vector<1x1xf32> to vector<1x128xf32>
    %sub3A_18 = arith.subf %add3A, %sub3A : vector<1x128xf32>
    %integer_pow3A = arith.mulf %sub3A_18, %sub3A_18 : vector<1x128xf32>
    %reduce_sum3A_19 = arith.constant dense<0.000000e+00> : vector<1xf32>
    %reduce_sum3A_20 = vector.multi_reduction <add>, %integer_pow3A, %reduce_sum3A_19 [1] : vector<1x128xf32> to vector<1xf32>
    %broadcast_in_dim3A_21 = vector.shape_cast %reduce_sum3A_20 : vector<1xf32> to vector<1x1xf32>
    %div3A_22 = arith.constant 1.280000e+02 : f32
    %div3A_23 = vector.broadcast %div3A_22 : f32 to vector<1x1xf32>
    %div3A_24 = arith.divf %broadcast_in_dim3A_21, %div3A_23 : vector<1x1xf32>
    %sub3A_25 = vector.broadcast %div3A_17 : vector<1x1xf32> to vector<1x128xf32>
    %sub3A_26 = arith.subf %add3A, %sub3A_25 : vector<1x128xf32>
    %add3A_27 = arith.constant 9.99999974E-6 : f32
    %add3A_28 = vector.broadcast %add3A_27 : f32 to vector<1x1xf32>
    %add3A_29 = arith.addf %div3A_24, %add3A_28 : vector<1x1xf32>
    %sqrt3A = math.sqrt %add3A_29 : vector<1x1xf32>
    %div3A_30 = vector.broadcast %sqrt3A : vector<1x1xf32> to vector<1x128xf32>
    %div3A_31 = arith.divf %sub3A_26, %div3A_30 : vector<1x128xf32>
    %mul3A = arith.mulf %div3A_31, %get3A_11 : vector<1x128xf32>
    %add3A_32 = arith.addf %mul3A, %get3A_14 : vector<1x128xf32>
    %get3A_33 = arith.constant 0 : index
    %get3A_34 = arith.constant 0 : index
    %get3A_35 = arith.constant 0 : index
    %get3A_36 = vector.load %arg1[%get3A_33, %get3A_34, %get3A_35] : memref<2x1024x64xf32, #tpu.memory_space<vmem>>, vector<1x1024x64xf32>
    %get3A_37 = vector.shape_cast %get3A_36 : vector<1x1024x64xf32> to vector<1024x64xf32>
    %get3A_38 = arith.constant 1 : index
    %get3A_39 = arith.constant 0 : index
    %get3A_40 = arith.constant 0 : index
    %get3A_41 = vector.load %arg1[%get3A_38, %get3A_39, %get3A_40] : memref<2x1024x64xf32, #tpu.memory_space<vmem>>, vector<1x1024x64xf32>
    %get3A_42 = vector.shape_cast %get3A_41 : vector<1x1024x64xf32> to vector<1024x64xf32>
    %concatenate3A = tpu.concatenate %get3A_37, %get3A_42 in 1 : vector<1024x64xf32>, vector<1024x64xf32> -> vector<1024x128xf32>
    %get3A_43 = arith.constant 0 : index
    %get3A_44 = arith.constant 0 : index
    %get3A_45 = vector.load %arg2[%get3A_43, %get3A_44] : memref<16x1024xf32, #tpu.memory_space<vmem>>, vector<16x1024xf32>
    %reduce_sum3A_46 = arith.constant dense<0.000000e+00> : vector<1024xf32>
    %reduce_sum3A_47 = vector.multi_reduction <add>, %get3A_45, %reduce_sum3A_46 [0] : vector<16x1024xf32> to vector<1024xf32>
    %max3A = arith.constant 1.000000e+00 : f32
    %max3A_48 = vector.broadcast %max3A : f32 to vector<1024xf32>
    %max3A_49 = arith.maximumf %reduce_sum3A_47, %max3A_48 : vector<1024xf32>
    %broadcast_in_dim3A_50 = vector.shape_cast %reduce_sum3A_47 : vector<1024xf32> to vector<1024x1xf32>
    %mul3A_51 = vector.broadcast %broadcast_in_dim3A_50 : vector<1024x1xf32> to vector<1024x128xf32>
    %mul3A_52 = vector.broadcast %add3A_32 : vector<1x128xf32> to vector<1024x128xf32>
    %mul3A_53 = arith.mulf %mul3A_51, %mul3A_52 : vector<1024x128xf32>
    %add3A_54 = arith.addf %concatenate3A, %mul3A_53 : vector<1024x128xf32>
    %broadcast_in_dim3A_55 = vector.shape_cast %max3A_49 : vector<1024xf32> to vector<1024x1xf32>
    %div3A_56 = vector.broadcast %broadcast_in_dim3A_55 : vector<1024x1xf32> to vector<1024x128xf32>
    %div3A_57 = arith.divf %add3A_54, %div3A_56 : vector<1024x128xf32>
    %get3A_58 = arith.constant 0 : index
    %get3A_59 = arith.constant 0 : index
    %get3A_60 = vector.load %arg8[%get3A_58, %get3A_59] : memref<128x128xf32, #tpu.memory_space<vmem>>, vector<128x128xf32>
    %dot_general3A_61 = arith.constant dense<0.000000e+00> : vector<1024x128xf32>
    %dot_general3A_62 = tpu.matmul %div3A_57, %get3A_60, %dot_general3A_61 {dimension_numbers = #tpu.dot_dimension_numbers<[1], [0], [0], [1], [0, 0, 1, 1], [], []>, transpose_lhs_hint = false} : vector<1024x128xf32>, vector<128x128xf32>, vector<1024x128xf32> -> vector<1024x128xf32>
    %get3A_63 = arith.constant 0 : index
    %get3A_64 = arith.constant 0 : index
    %get3A_65 = vector.load %arg9[%get3A_63, %get3A_64] : memref<1x128xf32, #tpu.memory_space<vmem>>, vector<1x128xf32>
    %get3A_66 = arith.constant 0 : index
    %get3A_67 = arith.constant 0 : index
    %get3A_68 = vector.load %arg10[%get3A_66, %get3A_67] : memref<1x128xf32, #tpu.memory_space<vmem>>, vector<1x128xf32>
    %reduce_sum3A_69 = arith.constant dense<0.000000e+00> : vector<1024xf32>
    %reduce_sum3A_70 = vector.multi_reduction <add>, %dot_general3A_62, %reduce_sum3A_69 [1] : vector<1024x128xf32> to vector<1024xf32>
    %broadcast_in_dim3A_71 = vector.shape_cast %reduce_sum3A_70 : vector<1024xf32> to vector<1024x1xf32>
    %div3A_72 = arith.constant 1.280000e+02 : f32
    %div3A_73 = vector.broadcast %div3A_72 : f32 to vector<1024x1xf32>
    %div3A_74 = arith.divf %broadcast_in_dim3A_71, %div3A_73 : vector<1024x1xf32>
    %sub3A_75 = vector.broadcast %div3A_74 : vector<1024x1xf32> to vector<1024x128xf32>
    %sub3A_76 = arith.subf %dot_general3A_62, %sub3A_75 : vector<1024x128xf32>
    %integer_pow3A_77 = arith.mulf %sub3A_76, %sub3A_76 : vector<1024x128xf32>
    %reduce_sum3A_78 = arith.constant dense<0.000000e+00> : vector<1024xf32>
    %reduce_sum3A_79 = vector.multi_reduction <add>, %integer_pow3A_77, %reduce_sum3A_78 [1] : vector<1024x128xf32> to vector<1024xf32>
    %broadcast_in_dim3A_80 = vector.shape_cast %reduce_sum3A_79 : vector<1024xf32> to vector<1024x1xf32>
    %div3A_81 = arith.constant 1.280000e+02 : f32
    %div3A_82 = vector.broadcast %div3A_81 : f32 to vector<1024x1xf32>
    %div3A_83 = arith.divf %broadcast_in_dim3A_80, %div3A_82 : vector<1024x1xf32>
    %sub3A_84 = vector.broadcast %div3A_74 : vector<1024x1xf32> to vector<1024x128xf32>
    %sub3A_85 = arith.subf %dot_general3A_62, %sub3A_84 : vector<1024x128xf32>
    %add3A_86 = arith.constant 9.99999974E-6 : f32
    %add3A_87 = vector.broadcast %add3A_86 : f32 to vector<1024x1xf32>
    %add3A_88 = arith.addf %div3A_83, %add3A_87 : vector<1024x1xf32>
    %sqrt3A_89 = math.sqrt %add3A_88 : vector<1024x1xf32>
    %div3A_90 = vector.broadcast %sqrt3A_89 : vector<1024x1xf32> to vector<1024x128xf32>
    %div3A_91 = arith.divf %sub3A_85, %div3A_90 : vector<1024x128xf32>
    %mul3A_92 = vector.broadcast %get3A_65 : vector<1x128xf32> to vector<1024x128xf32>
    %mul3A_93 = arith.mulf %div3A_91, %mul3A_92 : vector<1024x128xf32>
    %add3A_94 = vector.broadcast %get3A_68 : vector<1x128xf32> to vector<1024x128xf32>
    %add3A_95 = arith.addf %mul3A_93, %add3A_94 : vector<1024x128xf32>
    %tanh3A = math.tanh %add3A_95 : vector<1024x128xf32>
    %swap3A = arith.constant 0 : index
    %swap3A_96 = arith.constant 0 : index
    %swap3A_97 = vector.load %arg11[%swap3A, %swap3A_96] : memref<1024x128xf32, #tpu.memory_space<vmem>>, vector<1024x128xf32>
    tpu.vector_store %arg11[%swap3A, %swap3A_96], %tanh3A {strides = array<i32>} : memref<1024x128xf32, #tpu.memory_space<vmem>>, vector<1024x128xf32>,
    %slice3A = vector.extract_strided_slice %tanh3A {offsets = [0, 0], sizes = [1024, 64], strides = [1, 1]} : vector<1024x128xf32> to vector<1024x64xf32>
    %swap3A_98 = arith.constant 0 : index
    %swap3A_99 = arith.constant 0 : index
    %swap3A_100 = arith.constant 0 : index
    %swap3A_101 = vector.load %arg12[%swap3A_98, %swap3A_99, %swap3A_100] : memref<2x1024x64xf32, #tpu.memory_space<vmem>>, vector<1x1024x64xf32>
    %swap3A_102 = vector.shape_cast %swap3A_101 : vector<1x1024x64xf32> to vector<1024x64xf32>
    %swap3A_103 = vector.shape_cast %slice3A : vector<1024x64xf32> to vector<1x1024x64xf32>
    tpu.vector_store %arg12[%swap3A_98, %swap3A_99, %swap3A_100], %swap3A_103 {strides = array<i32>} : memref<2x1024x64xf32, #tpu.memory_space<vmem>>, vector<1x1024x64xf32>,
    %slice3A_104 = vector.extract_strided_slice %tanh3A {offsets = [0, 64], sizes = [1024, 64], strides = [1, 1]} : vector<1024x128xf32> to vector<1024x64xf32>
    %swap3A_105 = arith.constant 1 : index
    %swap3A_106 = arith.constant 0 : index
    %swap3A_107 = arith.constant 0 : index
    %swap3A_108 = vector.load %arg12[%swap3A_105, %swap3A_106, %swap3A_107] : memref<2x1024x64xf32, #tpu.memory_space<vmem>>, vector<1x1024x64xf32>
    %swap3A_109 = vector.shape_cast %swap3A_108 : vector<1x1024x64xf32> to vector<1024x64xf32>
    %swap3A_110 = vector.shape_cast %slice3A_104 : vector<1024x64xf32> to vector<1x1024x64xf32>
    tpu.vector_store %arg12[%swap3A_105, %swap3A_106, %swap3A_107], %swap3A_110 {strides = array<i32>} : memref<2x1024x64xf32, #tpu.memory_space<vmem>>, vector<1x1024x64xf32>,
    return
  }
  func.func @transform_0(%arg0: i32) -> (i32, i32, i32) {
    %c0_i32 = arith.constant 0 : i32
    %c0_i32_0 = arith.constant 0 : i32
    %c0_i32_1 = arith.constant 0 : i32
    return %c0_i32, %arg0, %c0_i32_0 : i32, i32, i32
  }
  func.func @transform_1(%arg0: i32) -> (i32, i32) {
    %c0_i32 = arith.constant 0 : i32
    %c0_i32_0 = arith.constant 0 : i32
    return %c0_i32, %arg0 : i32, i32
  }
  func.func @transform_2(%arg0: i32) -> (i32, i32) {
    %c0_i32 = arith.constant 0 : i32
    %c0_i32_0 = arith.constant 0 : i32
    %c0_i32_1 = arith.constant 0 : i32
    return %c0_i32, %c0_i32_0 : i32, i32
  }
  func.func @transform_3(%arg0: i32) -> (i32, i32) {
    %c0_i32 = arith.constant 0 : i32
    %c0_i32_0 = arith.constant 0 : i32
    %c0_i32_1 = arith.constant 0 : i32
    return %c0_i32, %c0_i32_0 : i32, i32
  }
  func.func @transform_4(%arg0: i32) -> (i32, i32) {
    %c0_i32 = arith.constant 0 : i32
    %c0_i32_0 = arith.constant 0 : i32
    %c0_i32_1 = arith.constant 0 : i32
    return %c0_i32, %c0_i32_0 : i32, i32
  }
  func.func @transform_5(%arg0: i32) -> (i32, i32) {
    %c0_i32 = arith.constant 0 : i32
    %c0_i32_0 = arith.constant 0 : i32
    %c0_i32_1 = arith.constant 0 : i32
    return %c0_i32, %c0_i32_0 : i32, i32
  }
  func.func @transform_6(%arg0: i32) -> (i32, i32) {
    %c0_i32 = arith.constant 0 : i32
    %c0_i32_0 = arith.constant 0 : i32
    %c0_i32_1 = arith.constant 0 : i32
    return %c0_i32, %c0_i32_0 : i32, i32
  }
  func.func @transform_7(%arg0: i32) -> (i32, i32) {
    %c0_i32 = arith.constant 0 : i32
    %c0_i32_0 = arith.constant 0 : i32
    %c0_i32_1 = arith.constant 0 : i32
    return %c0_i32, %c0_i32_0 : i32, i32
  }
  func.func @transform_8(%arg0: i32) -> (i32, i32) {
    %c0_i32 = arith.constant 0 : i32
    %c0_i32_0 = arith.constant 0 : i32
    %c0_i32_1 = arith.constant 0 : i32
    return %c0_i32, %c0_i32_0 : i32, i32
  }
  func.func @transform_9(%arg0: i32) -> (i32, i32) {
    %c0_i32 = arith.constant 0 : i32
    %c0_i32_0 = arith.constant 0 : i32
    %c0_i32_1 = arith.constant 0 : i32
    return %c0_i32, %c0_i32_0 : i32, i32
  }
  func.func @transform_10(%arg0: i32) -> (i32, i32) {
    %c0_i32 = arith.constant 0 : i32
    %c0_i32_0 = arith.constant 0 : i32
    return %arg0, %c0_i32 : i32, i32
  }
  func.func @transform_11(%arg0: i32) -> (i32, i32, i32) {
    %c0_i32 = arith.constant 0 : i32
    %c0_i32_0 = arith.constant 0 : i32
    %c0_i32_1 = arith.constant 0 : i32
    return %c0_i32, %arg0, %c0_i32_0 : i32, i32, i32
  }
}

module attributes {stable_mosaic.version = 14 : i64} {
  func.func @_tc_x_body(%arg0: i32, %arg1: memref<2x1024x64xf32, #tpu.memory_space<vmem>>, %arg2: memref<16x1024xf32, #tpu.memory_space<vmem>>, %arg3: memref<1x128xf32, #tpu.memory_space<vmem>>, %arg4: memref<128x128xf32, #tpu.memory_space<vmem>>, %arg5: memref<1x128xf32, #tpu.memory_space<vmem>>, %arg6: memref<1x128xf32, #tpu.memory_space<vmem>>, %arg7: memref<1x128xf32, #tpu.memory_space<vmem>>, %arg8: memref<128x128xf32, #tpu.memory_space<vmem>>, %arg9: memref<1x128xf32, #tpu.memory_space<vmem>>, %arg10: memref<1x128xf32, #tpu.memory_space<vmem>>, %arg11: memref<1024x128xf32, #tpu.memory_space<vmem>>, %arg12: memref<2x1024x64xf32, #tpu.memory_space<vmem>>) attributes {dimension_semantics = [#tpu.dimension_semantics<arbitrary>], iteration_bounds = array<i64: 10>, scalar_prefetch = 0 : i64, scratch_operands = 0 : i64, tpu.core_type = #tpu.core_type<tc>, window_params = [{transform_indices = @transform_0, window_bounds = array<i64: 2, 1024, 64>}, {transform_indices = @transform_1, window_bounds = array<i64: 16, 1024>}, {pipeline_mode = #tpu.pipeline_mode<synchronous>, transform_indices = @transform_2, window_bounds = array<i64: 1, 128>}, {pipeline_mode = #tpu.pipeline_mode<synchronous>, transform_indices = @transform_3, window_bounds = array<i64: 128, 128>}, {pipeline_mode = #tpu.pipeline_mode<synchronous>, transform_indices = @transform_4, window_bounds = array<i64: 1, 128>}, {pipeline_mode = #tpu.pipeline_mode<synchronous>, transform_indices = @transform_5, window_bounds = array<i64: 1, 128>}, {pipeline_mode = #tpu.pipeline_mode<synchronous>, transform_indices = @transform_6, window_bounds = array<i64: 1, 128>}, {pipeline_mode = #tpu.pipeline_mode<synchronous>, transform_indices = @transform_7, window_bounds = array<i64: 128, 128>}, {pipeline_mode = #tpu.pipeline_mode<synchronous>, transform_indices = @transform_8, window_bounds = array<i64: 1, 128>}, {pipeline_mode = #tpu.pipeline_mode<synchronous>, transform_indices = @transform_9, window_bounds = array<i64: 1, 128>}, {transform_indices = @transform_10, window_bounds = array<i64: 1024, 128>}, {transform_indices = @transform_11, window_bounds = array<i64: 2, 1024, 64>}]} {
    %get3A = arith.constant 0 : index
    %get3A_0 = arith.constant 0 : index
    %get3A_1 = vector.load %arg3[%get3A, %get3A_0] : memref<1x128xf32, #tpu.memory_space<vmem>>, vector<1x128xf32>
    %get3A_2 = arith.constant 0 : index
    %get3A_3 = arith.constant 0 : index
    %get3A_4 = vector.load %arg4[%get3A_2, %get3A_3] : memref<128x128xf32, #tpu.memory_space<vmem>>, vector<128x128xf32>
    %dot_general3A = arith.constant dense<0.000000e+00> : vector<1x128xf32>
    %dot_general3A_5 = tpu.matmul %get3A_1, %get3A_4, %dot_general3A {dimension_numbers = #tpu.dot_dimension_numbers<[1], [0], [0], [1], [0, 0, 1, 1], [], []>, transpose_lhs_hint = false} : vector<1x128xf32>, vector<128x128xf32>, vector<1x128xf32> -> vector<1x128xf32>
    %get3A_6 = arith.constant 0 : index
    %get3A_7 = arith.constant 0 : index
    %get3A_8 = vector.load %arg5[%get3A_6, %get3A_7] : memref<1x128xf32, #tpu.memory_space<vmem>>, vector<1x128xf32>
    %add3A = arith.addf %dot_general3A_5, %get3A_8 : vector<1x128xf32>
    %get3A_9 = arith.constant 0 : index
    %get3A_10 = arith.constant 0 : index
    %get3A_11 = vector.load %arg6[%get3A_9, %get3A_10] : memref<1x128xf32, #tpu.memory_space<vmem>>, vector<1x128xf32>
    %get3A_12 = arith.constant 0 : index
    %get3A_13 = arith.constant 0 : index
    %get3A_14 = vector.load %arg7[%get3A_12, %get3A_13] : memref<1x128xf32, #tpu.memory_space<vmem>>, vector<1x128xf32>
    %reduce_sum3A = arith.constant dense<0.000000e+00> : vector<1xf32>
    %reduce_sum3A_15 = vector.multi_reduction <add>, %add3A, %reduce_sum3A [1] : vector<1x128xf32> to vector<1xf32>
    %broadcast_in_dim3A = vector.shape_cast %reduce_sum3A_15 : vector<1xf32> to vector<1x1xf32>
    %div3A = arith.constant 1.280000e+02 : f32
    %div3A_16 = vector.broadcast %div3A : f32 to vector<1x1xf32>
    %div3A_17 = arith.divf %broadcast_in_dim3A, %div3A_16 : vector<1x1xf32>
    %sub3A = vector.broadcast %div3A_17 : vector<1x1xf32> to vector<1x128xf32>
    %sub3A_18 = arith.subf %add3A, %sub3A : vector<1x128xf32>
    %integer_pow3A = arith.mulf %sub3A_18, %sub3A_18 : vector<1x128xf32>
    %reduce_sum3A_19 = arith.constant dense<0.000000e+00> : vector<1xf32>
    %reduce_sum3A_20 = vector.multi_reduction <add>, %integer_pow3A, %reduce_sum3A_19 [1] : vector<1x128xf32> to vector<1xf32>
    %broadcast_in_dim3A_21 = vector.shape_cast %reduce_sum3A_20 : vector<1xf32> to vector<1x1xf32>
    %div3A_22 = arith.constant 1.280000e+02 : f32
    %div3A_23 = vector.broadcast %div3A_22 : f32 to vector<1x1xf32>
    %div3A_24 = arith.divf %broadcast_in_dim3A_21, %div3A_23 : vector<1x1xf32>
    %sub3A_25 = vector.broadcast %div3A_17 : vector<1x1xf32> to vector<1x128xf32>
    %sub3A_26 = arith.subf %add3A, %sub3A_25 : vector<1x128xf32>
    %add3A_27 = arith.constant 9.99999974E-6 : f32
    %add3A_28 = vector.broadcast %add3A_27 : f32 to vector<1x1xf32>
    %add3A_29 = arith.addf %div3A_24, %add3A_28 : vector<1x1xf32>
    %sqrt3A = math.sqrt %add3A_29 : vector<1x1xf32>
    %div3A_30 = vector.broadcast %sqrt3A : vector<1x1xf32> to vector<1x128xf32>
    %div3A_31 = arith.divf %sub3A_26, %div3A_30 : vector<1x128xf32>
    %mul3A = arith.mulf %div3A_31, %get3A_11 : vector<1x128xf32>
    %add3A_32 = arith.addf %mul3A, %get3A_14 : vector<1x128xf32>
    %get3A_33 = arith.constant 0 : index
    %get3A_34 = arith.constant 0 : index
    %get3A_35 = arith.constant 0 : index
    %get3A_36 = vector.load %arg1[%get3A_33, %get3A_34, %get3A_35] : memref<2x1024x64xf32, #tpu.memory_space<vmem>>, vector<1x1024x64xf32>
    %get3A_37 = vector.shape_cast %get3A_36 : vector<1x1024x64xf32> to vector<1024x64xf32>
    %get3A_38 = arith.constant 1 : index
    %get3A_39 = arith.constant 0 : index
    %get3A_40 = arith.constant 0 : index
    %get3A_41 = vector.load %arg1[%get3A_38, %get3A_39, %get3A_40] : memref<2x1024x64xf32, #tpu.memory_space<vmem>>, vector<1x1024x64xf32>
    %get3A_42 = vector.shape_cast %get3A_41 : vector<1x1024x64xf32> to vector<1024x64xf32>
    %concatenate3A = tpu.concatenate %get3A_37, %get3A_42 in 1 : vector<1024x64xf32>, vector<1024x64xf32> -> vector<1024x128xf32>
    %get3A_43 = arith.constant 0 : index
    %get3A_44 = arith.constant 0 : index
    %get3A_45 = vector.load %arg2[%get3A_43, %get3A_44] : memref<16x1024xf32, #tpu.memory_space<vmem>>, vector<16x1024xf32>
    %reduce_sum3A_46 = arith.constant dense<0.000000e+00> : vector<1024xf32>
    %reduce_sum3A_47 = vector.multi_reduction <add>, %get3A_45, %reduce_sum3A_46 [0] : vector<16x1024xf32> to vector<1024xf32>
    %max3A = arith.constant 1.000000e+00 : f32
    %max3A_48 = vector.broadcast %max3A : f32 to vector<1024xf32>
    %max3A_49 = arith.maximumf %reduce_sum3A_47, %max3A_48 : vector<1024xf32>
    %broadcast_in_dim3A_50 = vector.shape_cast %reduce_sum3A_47 : vector<1024xf32> to vector<1024x1xf32>
    %mul3A_51 = vector.broadcast %broadcast_in_dim3A_50 : vector<1024x1xf32> to vector<1024x128xf32>
    %mul3A_52 = vector.broadcast %add3A_32 : vector<1x128xf32> to vector<1024x128xf32>
    %mul3A_53 = arith.mulf %mul3A_51, %mul3A_52 : vector<1024x128xf32>
    %add3A_54 = arith.addf %concatenate3A, %mul3A_53 : vector<1024x128xf32>
    %broadcast_in_dim3A_55 = vector.shape_cast %max3A_49 : vector<1024xf32> to vector<1024x1xf32>
    %div3A_56 = vector.broadcast %broadcast_in_dim3A_55 : vector<1024x1xf32> to vector<1024x128xf32>
    %div3A_57 = arith.divf %add3A_54, %div3A_56 : vector<1024x128xf32>
    %get3A_58 = arith.constant 0 : index
    %get3A_59 = arith.constant 0 : index
    %get3A_60 = vector.load %arg8[%get3A_58, %get3A_59] : memref<128x128xf32, #tpu.memory_space<vmem>>, vector<128x128xf32>
    %dot_general3A_61 = arith.constant dense<0.000000e+00> : vector<1024x128xf32>
    %dot_general3A_62 = tpu.matmul %div3A_57, %get3A_60, %dot_general3A_61 {dimension_numbers = #tpu.dot_dimension_numbers<[1], [0], [0], [1], [0, 0, 1, 1], [], []>, transpose_lhs_hint = false} : vector<1024x128xf32>, vector<128x128xf32>, vector<1024x128xf32> -> vector<1024x128xf32>
    %get3A_63 = arith.constant 0 : index
    %get3A_64 = arith.constant 0 : index
    %get3A_65 = vector.load %arg9[%get3A_63, %get3A_64] : memref<1x128xf32, #tpu.memory_space<vmem>>, vector<1x128xf32>
    %get3A_66 = arith.constant 0 : index
    %get3A_67 = arith.constant 0 : index
    %get3A_68 = vector.load %arg10[%get3A_66, %get3A_67] : memref<1x128xf32, #tpu.memory_space<vmem>>, vector<1x128xf32>
    %reduce_sum3A_69 = arith.constant dense<0.000000e+00> : vector<1024xf32>
    %reduce_sum3A_70 = vector.multi_reduction <add>, %dot_general3A_62, %reduce_sum3A_69 [1] : vector<1024x128xf32> to vector<1024xf32>
    %broadcast_in_dim3A_71 = vector.shape_cast %reduce_sum3A_70 : vector<1024xf32> to vector<1024x1xf32>
    %div3A_72 = arith.constant 1.280000e+02 : f32
    %div3A_73 = vector.broadcast %div3A_72 : f32 to vector<1024x1xf32>
    %div3A_74 = arith.divf %broadcast_in_dim3A_71, %div3A_73 : vector<1024x1xf32>
    %sub3A_75 = vector.broadcast %div3A_74 : vector<1024x1xf32> to vector<1024x128xf32>
    %sub3A_76 = arith.subf %dot_general3A_62, %sub3A_75 : vector<1024x128xf32>
    %integer_pow3A_77 = arith.mulf %sub3A_76, %sub3A_76 : vector<1024x128xf32>
    %reduce_sum3A_78 = arith.constant dense<0.000000e+00> : vector<1024xf32>
    %reduce_sum3A_79 = vector.multi_reduction <add>, %integer_pow3A_77, %reduce_sum3A_78 [1] : vector<1024x128xf32> to vector<1024xf32>
    %broadcast_in_dim3A_80 = vector.shape_cast %reduce_sum3A_79 : vector<1024xf32> to vector<1024x1xf32>
    %div3A_81 = arith.constant 1.280000e+02 : f32
    %div3A_82 = vector.broadcast %div3A_81 : f32 to vector<1024x1xf32>
    %div3A_83 = arith.divf %broadcast_in_dim3A_80, %div3A_82 : vector<1024x1xf32>
    %sub3A_84 = vector.broadcast %div3A_74 : vector<1024x1xf32> to vector<1024x128xf32>
    %sub3A_85 = arith.subf %dot_general3A_62, %sub3A_84 : vector<1024x128xf32>
    %add3A_86 = arith.constant 9.99999974E-6 : f32
    %add3A_87 = vector.broadcast %add3A_86 : f32 to vector<1024x1xf32>
    %add3A_88 = arith.addf %div3A_83, %add3A_87 : vector<1024x1xf32>
    %sqrt3A_89 = math.sqrt %add3A_88 : vector<1024x1xf32>
    %div3A_90 = vector.broadcast %sqrt3A_89 : vector<1024x1xf32> to vector<1024x128xf32>
    %div3A_91 = arith.divf %sub3A_85, %div3A_90 : vector<1024x128xf32>
    %mul3A_92 = vector.broadcast %get3A_65 : vector<1x128xf32> to vector<1024x128xf32>
    %mul3A_93 = arith.mulf %div3A_91, %mul3A_92 : vector<1024x128xf32>
    %add3A_94 = vector.broadcast %get3A_68 : vector<1x128xf32> to vector<1024x128xf32>
    %add3A_95 = arith.addf %mul3A_93, %add3A_94 : vector<1024x128xf32>
    %tanh3A = math.tanh %add3A_95 : vector<1024x128xf32>
    %swap3A = arith.constant 0 : index
    %swap3A_96 = arith.constant 0 : index
    %swap3A_97 = vector.load %arg11[%swap3A, %swap3A_96] : memref<1024x128xf32, #tpu.memory_space<vmem>>, vector<1024x128xf32>
    tpu.vector_store %arg11[%swap3A, %swap3A_96], %tanh3A {strides = array<i32>} : memref<1024x128xf32, #tpu.memory_space<vmem>>, vector<1024x128xf32>,
    %slice3A = vector.extract_strided_slice %tanh3A {offsets = [0, 0], sizes = [1024, 64], strides = [1, 1]} : vector<1024x128xf32> to vector<1024x64xf32>
    %swap3A_98 = arith.constant 0 : index
    %swap3A_99 = arith.constant 0 : index
    %swap3A_100 = arith.constant 0 : index
    %swap3A_101 = vector.load %arg12[%swap3A_98, %swap3A_99, %swap3A_100] : memref<2x1024x64xf32, #tpu.memory_space<vmem>>, vector<1x1024x64xf32>
    %swap3A_102 = vector.shape_cast %swap3A_101 : vector<1x1024x64xf32> to vector<1024x64xf32>
    %swap3A_103 = vector.shape_cast %slice3A : vector<1024x64xf32> to vector<1x1024x64xf32>
    tpu.vector_store %arg12[%swap3A_98, %swap3A_99, %swap3A_100], %swap3A_103 {strides = array<i32>} : memref<2x1024x64xf32, #tpu.memory_space<vmem>>, vector<1x1024x64xf32>,
    %slice3A_104 = vector.extract_strided_slice %tanh3A {offsets = [0, 64], sizes = [1024, 64], strides = [1, 1]} : vector<1024x128xf32> to vector<1024x64xf32>
    %swap3A_105 = arith.constant 1 : index
    %swap3A_106 = arith.constant 0 : index
    %swap3A_107 = arith.constant 0 : index
    %swap3A_108 = vector.load %arg12[%swap3A_105, %swap3A_106, %swap3A_107] : memref<2x1024x64xf32, #tpu.memory_space<vmem>>, vector<1x1024x64xf32>
    %swap3A_109 = vector.shape_cast %swap3A_108 : vector<1x1024x64xf32> to vector<1024x64xf32>
    %swap3A_110 = vector.shape_cast %slice3A_104 : vector<1024x64xf32> to vector<1x1024x64xf32>
    tpu.vector_store %arg12[%swap3A_105, %swap3A_106, %swap3A_107], %swap3A_110 {strides = array<i32>} : memref<2x1024x64xf32, #tpu.memory_space<vmem>>, vector<1x1024x64xf32>,
    return
  }
  func.func @transform_0(%arg0: i32) -> (i32, i32, i32) {
    %c0_i32 = arith.constant 0 : i32
    %c0_i32_0 = arith.constant 0 : i32
    %c0_i32_1 = arith.constant 0 : i32
    return %c0_i32, %arg0, %c0_i32_0 : i32, i32, i32
  }
  func.func @transform_1(%arg0: i32) -> (i32, i32) {
    %c0_i32 = arith.constant 0 : i32
    %c0_i32_0 = arith.constant 0 : i32
    return %c0_i32, %arg0 : i32, i32
  }
  func.func @transform_2(%arg0: i32) -> (i32, i32) {
    %c0_i32 = arith.constant 0 : i32
    %c0_i32_0 = arith.constant 0 : i32
    %c0_i32_1 = arith.constant 0 : i32
    return %c0_i32, %c0_i32_0 : i32, i32
  }
  func.func @transform_3(%arg0: i32) -> (i32, i32) {
    %c0_i32 = arith.constant 0 : i32
    %c0_i32_0 = arith.constant 0 : i32
    %c0_i32_1 = arith.constant 0 : i32
    return %c0_i32, %c0_i32_0 : i32, i32
  }
  func.func @transform_4(%arg0: i32) -> (i32, i32) {
    %c0_i32 = arith.constant 0 : i32
    %c0_i32_0 = arith.constant 0 : i32
    %c0_i32_1 = arith.constant 0 : i32
    return %c0_i32, %c0_i32_0 : i32, i32
  }
  func.func @transform_5(%arg0: i32) -> (i32, i32) {
    %c0_i32 = arith.constant 0 : i32
    %c0_i32_0 = arith.constant 0 : i32
    %c0_i32_1 = arith.constant 0 : i32
    return %c0_i32, %c0_i32_0 : i32, i32
  }
  func.func @transform_6(%arg0: i32) -> (i32, i32) {
    %c0_i32 = arith.constant 0 : i32
    %c0_i32_0 = arith.constant 0 : i32
    %c0_i32_1 = arith.constant 0 : i32
    return %c0_i32, %c0_i32_0 : i32, i32
  }
  func.func @transform_7(%arg0: i32) -> (i32, i32) {
    %c0_i32 = arith.constant 0 : i32
    %c0_i32_0 = arith.constant 0 : i32
    %c0_i32_1 = arith.constant 0 : i32
    return %c0_i32, %c0_i32_0 : i32, i32
  }
  func.func @transform_8(%arg0: i32) -> (i32, i32) {
    %c0_i32 = arith.constant 0 : i32
    %c0_i32_0 = arith.constant 0 : i32
    %c0_i32_1 = arith.constant 0 : i32
    return %c0_i32, %c0_i32_0 : i32, i32
  }
  func.func @transform_9(%arg0: i32) -> (i32, i32) {
    %c0_i32 = arith.constant 0 : i32
    %c0_i32_0 = arith.constant 0 : i32
    %c0_i32_1 = arith.constant 0 : i32
    return %c0_i32, %c0_i32_0 : i32, i32
  }
  func.func @transform_10(%arg0: i32) -> (i32, i32) {
    %c0_i32 = arith.constant 0 : i32
    %c0_i32_0 = arith.constant 0 : i32
    return %arg0, %c0_i32 : i32, i32
  }
  func.func @transform_11(%arg0: i32) -> (i32, i32, i32) {
    %c0_i32 = arith.constant 0 : i32
    %c0_i32_0 = arith.constant 0 : i32
    %c0_i32_1 = arith.constant 0 : i32
    return %c0_i32, %arg0, %c0_i32_0 : i32, i32, i32
  }
}

</mosaic_0001>

<sc_bundles>
// kernel: kernel.10.cloned.1.call-start
scs
__scs_entry_jumppad:
0x0: {  	(pc) =	sbr.rel $0x88, $3  }
0x1: {  	(tag) =	ssettag $0x0;
	lr =	simm.s32 $0x1  }
0x2: {  	[smem:$0x3F8C] =	sst lr;
	_ =	strace $0xD0000000  }
0x3: {  	_ = 	snop  }
0x4: {  	_ = 	snop  }
0x5: {  	_ = 	snop  }
0x6: {  	_ = 	snop  }
0x7: {  	_ = 	snop  }
__scs_overlays_trampoline_lowered:
0x8: {  	[smem:$0x3F9B] =	sst s0  }
0x9: {  	[smem:$0x3F9C] =	sst s1  }
0xa: {  	[smem:$0x3F9D] =	sst s2  }
0xb: {  	[smem:$0x3F9E] =	sst s3  }
0xc: {  	[smem:$0x3F9F] =	sst s4  }
0xd: {  	[smem:$0x3FA0] =	sst s5  }
0xe: {  	[smem:$0x3FA1] =	sst s6  }
0xf: {  	[smem:$0x3FA2] =	sst s7  }
0x10: {  	[smem:$0x3FA3] =	sst s8  }
0x11: {  	[smem:$0x3FA4] =	sst s9;
	s0 =	simm.s32 @!p0 $0x0  }
0x12: {  	s1 =	sld [smem:$0x3F8A];
	s0 =	simm.s32 @p0 $0x1  }
0x13: {  	[smem:$0x3FA5] =	sst s0;
	s0 =	simm.s32 @!p1 $0x0  }
0x14: {  	s2 =	sld [smem:$0x3F89];
	s0 =	simm.s32 @p1 $0x1  }
0x15: {  	[smem:$0x3FA6] =	sst s0;
	s0 =	simm.s32 @!p2 $0x0  }
0x16: {  	s3 =	sld [smem:$0x3FDB];
	s0 =	simm.s32 @p2 $0x1  }
0x17: {  	s4 =	simm.s32 $0x1BF5;
	[smem:$0x3FA8] =	sst s0  }
0x18: {  	s0 =	sld [smem:$0x3F8B];
	_ =	swait.ge [sflag:s4], $0x0  }
0x19: {  	s7 =	sld [smem:$0x3F8C]  }
0x1a: {  	s8 =	sadd.s32 $0xFFFFE003, lr  }
0x1b: {  	s9 =	sadd.s32 $0xFFFFFEF7, lr;
	s5 =	simm.s32 $0xFFFFFFFF;
	p2 =	slt.u32 s8, $0xFFFFF086  }
0x1c: {  	p1 =	slt.u32 s9, $0xF7A;
	s5 =	simm.s32 @!p2 $0x0  }
0x1d: {  	s5 =	simm.s32 @p1 $0x1;
	p0 =	seq.s32 s7, s2  }
0x1e: {  	s7 =	smul.u32 @!p0 $0xF7A, s2;
	p2 =	seq.s32 @!p0 s5, $0x0  }
0x1f: {  	s9 =	smul.u32 $0xF7A, s1;
	s8 =	simm.s32 @!p0 $0x1BF5;
	p2 =	por !p2, p0  }
0x20: {  	[sflag:s8] =	ssyncset.s32 @!p0 $0xFFFFF086;
	s6 =	sadd.s32 @!p0 s3, s7;
	s7 =	simm.s32 @!p0 $0x108  }
0x21: {  	s3 =	sadd.s32 s3, s9;
	s6 =	sadd.s32 @!p0 $0x88, s6;
	s7 =	simm.s32 @p2 $0x1082  }
0x22: {  	[simem:s7], [sflag:s8] =	dma.local @!p0 [hbm:s6], $0xF7A  }
0x23: {  	s9 =	sor.u32 $0xD0000000, s2;
	s6 =	simm.s32 $0x108;
	_ =	swait.ge @!p0 [sflag:s8], $0x0  }
0x24: {  	s3 =	sadd.s32 $0x88, s3;
	s6 =	simm.s32 @!p1 $0x1082;
	[sflag:s4] =	ssyncset.s32 $0xFFFFF086  }
0x25: {  	[simem:s6], [sflag:s4] =	dma.local [hbm:s3], $0xF7A  }
0x26: {  	[smem:$0x3F8C] =	sst s1;
	(tag) =	ssettag s2;
	_ =	strace s9  }
0x27: {  	s1 =	sld [smem:$0x3F9C]  }
0x28: {  	s2 =	sld [smem:$0x3F9D]  }
0x29: {  	s4 =	sld [smem:$0x3F9F]  }
0x2a: {  	p0 =	seq.s32 s5, $0x0;
	s5 =	sld [smem:$0x3FA0]  }
0x2b: {  	s6 =	sld [smem:$0x3FA1]  }
0x2c: {  	s7 =	sld [smem:$0x3FA2]  }
0x2d: {  	s3 =	simm.s32 $0x108;
	s8 =	sld [smem:$0x3FA3]  }
0x2e: {  	s3 =	simm.s32 @!p0 $0x1082;
	s9 =	sld [smem:$0x3FA4]  }
0x2f: {  	lr =	sadd.s32 s0, s3;
	s0 =	sld [smem:$0x3F9B]  }
0x30: {  	s3 =	sld [smem:$0x3F9E]  }
0x31: {  	[smem:$0x3FA7] =	sst s10  }
0x32: {  	s10 =	sld [smem:$0x3FA5];
	_ =	sdelay $0x3  }
0x33: {  	p0 =	seq.s32 s10, $0x1;
	s10 =	sld [smem:$0x3FA7];
	_ =	sdelay $0x3  }
0x34: {  	[smem:$0x3FA7] =	sst s10  }
0x35: {  	s10 =	sld [smem:$0x3FA6];
	_ =	sdelay $0x3  }
0x36: {  	p1 =	seq.s32 s10, $0x1;
	s10 =	sld [smem:$0x3FA7];
	_ =	sdelay $0x3  }
0x37: {  	[smem:$0x3FA7] =	sst s10  }
0x38: {  	s10 =	sld [smem:$0x3FA8]  }
0x39: {  	_ = 	snop;
	(pc) =	sbr.ind lr, $3  }
0x3a: {  	_ = 	snop  }
0x3b: {  	_ = 	snop  }
0x3c: {  	p2 =	seq.s32 s10, $0x1;
	s10 =	sld [smem:$0x3FA7]  }
0x3d: {  	_ =	shalt  }
0x3e: {  	_ =	shalt  }
0x3f: {  	_ =	shalt  }
0x40: {  	_ =	shalt  }
0x41: {  	_ =	shalt  }
0x42: {  	_ =	shalt  }
0x43: {  	_ =	shalt  }
0x44: {  	_ =	shalt  }
0x45: {  	_ =	shalt  }
0x46: {  	_ =	shalt  }
0x47: {  	_ =	shalt  }
0x48: {  	_ =	shalt  }
0x49: {  	_ =	shalt  }
0x4a: {  	_ =	shalt  }
0x4b: {  	_ =	shalt  }
0x4c: {  	_ =	shalt  }
0x4d: {  	_ =	shalt  }
0x4e: {  	_ =	shalt  }
0x4f: {  	_ =	shalt  }
0x50: {  	_ =	shalt  }
0x51: {  	_ =	shalt  }
0x52: {  	_ =	shalt  }
0x53: {  	_ =	shalt  }
0x54: {  	_ =	shalt  }
0x55: {  	_ =	shalt  }
0x56: {  	_ =	shalt  }
0x57: {  	_ =	shalt  }
0x58: {  	_ =	shalt  }
0x59: {  	_ =	shalt  }
0x5a: {  	_ =	shalt  }
0x5b: {  	_ =	shalt  }
0x5c: {  	_ =	shalt  }
0x5d: {  	_ =	shalt  }
0x5e: {  	_ =	shalt  }
0x5f: {  	_ =	shalt  }
0x60: {  	_ =	shalt  }
0x61: {  	_ =	shalt  }
0x62: {  	_ =	shalt  }
0x63: {  	_ =	shalt  }
0x64: {  	_ =	shalt  }
0x65: {  	_ =	shalt  }
0x66: {  	_ =	shalt  }
0x67: {  	_ =	shalt  }
0x68: {  	_ =	shalt  }
0x69: {  	_ =	shalt  }
0x6a: {  	_ =	shalt  }
0x6b: {  	_ =	shalt  }
0x6c: {  	_ =	shalt  }
0x6d: {  	_ =	shalt  }
0x6e: {  	_ =	shalt  }
0x6f: {  	_ =	shalt  }
0x70: {  	_ =	shalt  }
0x71: {  	_ =	shalt  }
0x72: {  	_ =	shalt  }
0x73: {  	_ =	shalt  }
0x74: {  	_ =	shalt  }
0x75: {  	_ =	shalt  }
0x76: {  	_ =	shalt  }
0x77: {  	_ =	shalt  }
0x78: {  	_ =	shalt  }
0x79: {  	_ =	shalt  }
0x7a: {  	_ =	shalt  }
0x7b: {  	_ =	shalt  }
0x7c: {  	_ =	shalt  }
0x7d: {  	_ =	shalt  }
0x7e: {  	_ =	shalt  }
0x7f: {  	_ =	shalt  }
0x80: {  	_ =	shalt  }
0x81: {  	_ =	shalt  }
0x82: {  	_ =	shalt  }
0x83: {  	_ =	shalt  }
0x84: {  	_ =	shalt  }
0x85: {  	_ =	shalt  }
0x86: {  	_ =	shalt  }
0x87: {  	_ =	shalt  }
.Lfunc_end0:
.L_simem_size_0:
called_computation.1_lowered:
.L_overlay_start_0:
0x88: {  	s2 =	sld [smem:$0x3FD9]  }
0x89: {  	s3 =	sld [smem:$0x3FFE];
	_ =	sdelay $0x1  }
0x8a: {  	s1 =	srdreg.scid  }
0x8b: {  	s0 =	sand.u32 $0x1, s1  }
0x8c: {  	s14 =	sshll.u32 s0, $0xA;
	s2 =	sadd.s32 s3, s2  }
0x8d: {  	s2 =	sadd.s32 s2, s14  }
0x8e: {  	[smem:$0x3FB3] =	sst s2  }
0x8f: {  	_ = 	snop  }
0x90: {  	s2 =	sld [smem:$0x3FD0];
	_ =	sdelay $0x2  }
0x91: {  	s15 =	simm.s32 $0xA;
	s4 =	simm.s32 $0x10  }
0x92: {  	[smem:s4], [sflag:s15] =	dma.local [hbm:s2], $0x1  }
0x93: {  	_ =	swait.eq [sflag:s15], $0x1  }
0x94: {  	[sflag:s15] =	ssyncset.done $0x0  }
0x95: {  	[sflag:s15] =	ssyncadd.s32 $0xFFFFFFFF  }
0x96: {  	s16 =	sld [smem:$0x10];
	(tm) =	ssettm $0x1  }
0x97: {  	s17 =	sld [smem:$0x3FFB];
	_ =	sdelay $0x3  }
0x98: {  	_ =	strace s17  }
0x99: {  	s3 =	sld [smem:$0x3FFC];
	_ =	sdelay $0x3  }
0x9a: {  	_ =	strace s3  }
0x9b: {  	s3 =	sld [smem:$0x3FFD];
	_ =	sdelay $0x3  }
0x9c: {  	_ =	strace s3  }
0x9d: {  	_ =	strace $0x8FFFFFFF  }
0x9e: {  	s18 =	sld [smem:$0x3FDB];
	_ =	sdelay $0x1  }
0x9f: {  	s19 =	simm.s32 $_scs_section_size  }
0xa0: {  	s5 =	simm.s32 $_size__tile_overlayer_lowered;
	s6 =	simm.s32 $_tile_overlayer_lowered  }
0xa1: {  	s22 =	simm.s32 $0x1BFF;
	s21 =	sshll.u32 s6, $0x1;
	s3 =	sadd.s32 s19, s18  }
0xa2: {  	s7 =	simm.s32 $0x0;
	s20 =	sshll.u32 s5, $0x1;
	s5 =	sadd.s32 s21, s3  }
0xa3: {  	[timem:s7], [sflag:s22] =	dma.local [hbm:s5], s20  }
0xa4: {  	_ =	swait.ge [sflag:s22], s20  }
0xa5: {  	s4 =	ssub.s32 $0x0, s20;
	[sflag:s22] =	ssyncset.done $0x0  }
0xa6: {  	[sflag:s22] =	ssyncadd.s32 s4;
	_ =	sdelay $0x1  }
0xa7: {  	s23 =	simm.s32 $0x1B8B  }
0xa8: {  	_ =	swait.ge [sflag:s23], $0x1  }
0xa9: {  	[sflag:s23] =	ssyncset.done $0x0  }
0xaa: {  	s25 =	simm.s32 $0x1B8E;
	s24 =	sld [smem:$0x3FFE];
	[sflag:s23] =	ssyncadd.s32 $0xFFFFFFFF  }
0xab: {  	s26 =	simm.s32 $execute0_lowered;
	[smem:$0x3FD2] =	sst s25  }
0xac: {  	s5 =	sshll.u32 s26, $0x1;
	_ =	strace $0x80000049;
	[dreg:$0x1] =	wrdreg $0xFFFFFFFF  }
0xad: {  	s28 =	simm.s32 $_size_execute0_lowered;
	s3 =	sadd.s32 s3, s5;
	[dreg:$0x0] =	wrdreg $0x0  }
0xae: {  	s5 =	sshll.u32 s28, $0x1;
	[dreg:$0x2] =	wrdreg s3  }
0xaf: {  	[dreg:$0x3] =	wrdreg s5  }
0xb0: {  	[dreg:$0x4] =	wrdreg $0xC0  }
0xb1: {  	_ =	task [dreg:s7], $0x5FFFF  }
0xb2: {  	[dreg:$0x1] =	wrdreg $0xFFFFFFFF  }
0xb3: {  	[dreg:$0x0] =	wrdreg $0x60  }
0xb4: {  	[dreg:$0x2] =	wrdreg s16  }
0xb5: {  	[dreg:$0x3] =	wrdreg s24  }
0xb6: {  	[dreg:$0x4] =	wrdreg $0x89000  }
0xb7: {  	[dreg:$0x5] =	wrdreg $0x127000  }
0xb8: {  	[dreg:$0x6] =	wrdreg $0x9  }
0xb9: {  	_ =	task.clear_ibuf [dreg:s7], $0x7FFFF;
	_ =	strace $0x90000049  }
0xba: {  	s29 =	simm.s32 $0x9;
	_ =	strace $0x8000004B  }
0xbb: {  	_ =	swait.ge [sflag:s29], $0x1  }
0xbc: {  	[sflag:s29] =	ssyncadd.s32 $0xFFFFFFFF  }
0xbd: {  	_ =	strace $0x9000004B  }
0xbe: {  	_ =	sfence  }
0xbf: {  	s30 =	sld [smem:$0x0];
	_ =	sdelay $0x2  }
0xc0: {  	s31 =	sshll.u32 s1, $0xD;
	s1 =	sshrl.u32 s1, $0x2  }
0xc1: {  	s3 =	sand.u32 $0x4000, s31;
	s1 =	sadd.s32 s1, s30  }
0xc2: {  	s0 =	sor.u32 s3, s0;
	s1 =	sshll.u32 s1, $0x11  }
0xc3: {  	s0 =	sor.u32 s1, s0  }
0xc4: {  	s0 =	sadd.s32 $0x8F2B, s0  }
0xc5: {  	[sflag:s0] =	ssyncadd.remote.s32 $0x1  }
0xc6: {  	_ =	sfence.sel $0xFFFF  }
0xc7: {  	[dreg:$0x0] =	wrdreg $0xFFFFFFFF;
	(pc) =	sbr.abs _section_cstart, $3  }
0xc8: {  	[dreg:$0x1] =	wrdreg $0xFFFFFFFF  }
0xc9: {  	_ =	task.clear_ibuf [dreg:s7], $0x2FFFF;
	_ =	strace $0x9FFFFFFF  }
0xca: {  	(tm) =	ssettm $0x7FFFFFFF  }
0xcb: {  	_ =	shalt  }
tec
execute0_lowered:
.L_overlay_start_1:
0x0: {  	(tag) =	ssettag $0x1  }
0x1: {  	s12 =	rddreg [dreg:$0x0]  }
0x2: {  	s5 =	rddreg [dreg:$0x1]  }
0x3: {  	s1 =	rddreg [dreg:$0x2]  }
0x4: {  	s2 =	rddreg [dreg:$0x3]  }
0x5: {  	s0 =	rddreg [dreg:$0x4];
	s6 =	srdreg.scid  }
0x6: {  	s3 =	stileid.u32;
	s4 =	simm.s32 $0x0;
	s17 =	simm.s32 $0x3  }
0x7: {  	s19 =	simm.s32 $0x180;
	s20 =	simm.s32 $0x100;
	s25 =	smul.u32 $0x9E00, s3  }
0x8: {  	s21 =	simm.s32 $0x2180;
	s22 =	simm.s32 $0x1;
	s9 =	smul.u32 $0x1DA0, s3  }
0x9: {  	s23 =	simm.s32 $0x2;
	s24 =	simm.s32 $0x0;
	s26 =	smul.u32 $0x27800, s3  }
0xa: {  	s18 =	sand.u32 $0x1, s6;
	[smem:$0x7FF] =	sst s4;
	s28 =	smul.u32 $0x4F0, s3  }
0xb: {  	p0 =	sne.s32 s3, $0x0;
	s7 =	smul.u32 $0x9E000, s18;
	_ =	strace $0x8000004A  }
0xc: {  	s8 =	sshll.u32 s18, $0xB;
	s29 =	ssub.s32 $0x2, s18;
	s16 =	smul.u32 $0x13880, s18  }
0xd: {  	p1 =	sne.s32 s18, $0x0;
	s18 =	simm.s32 $0x80;
	s10 =	sadd.s32 s8, s5  }
0xe: {  	s11 =	sadd.s32 s9, s5;
	s8 =	sshrl.u32 s26, $0x2;
	s14 =	sadd.s32 s28, s5  }
0xf: {  	s30 =	sshrl.u32 s29, $0x1;
	s7 =	sadd.s32 s25, s7;
	s31 =	sadd.s32 s8, s1  }
0x10: {  	s15 =	ssub.s32 s29, s30;
	s10 =	sadd.s32 $0x4F000, s10;
	s11 =	sadd.s32 $0x4E00, s11  }
0x11: {  	s12 =	sadd.s32 s12, s16;
	s14 =	sadd.s32 $0x22800, s14;
	s16 =	simm.s32 $0x4180  }
0x12: {  	s7 =	sshrl.u32 s7, $0x3;
	s6 =	sadd.s32 $0x2000, s31;
	s8 =	sadd.s32 $0x6000, s31  }
0x13: {  	s9 =	sadd.s32 $0x8000, s31;
	s15 =	smax.u32 s15, $0x1;
	s13 =	sadd.s32 s7, s5  }
0x14: {  	v0 =	vimm.f32 $0.0e+00;
	s5 =	sadd.s32 s25, s1;
	s7 =	sadd.s32 $0x4000, s31;
	s13 =	sadd.s32 $0x27800, s13  }
.LBB2_1:
0x15: {  	s25 =	simm.s32 $0x0  }
.LBB2_2:
0x16: {  	p2 =	sne.s32 s25, $0x7F00  }
.Ltmp0:
0x17: {  	s26 =	sshra.s32 s25, $0x2;
	(pc) =	sbr.rel @p2 .LBB2_2-.Ltmp0, $4  }
0x18: {  	[tilespmem:s26+$0x4180] =	vst v0  }
0x19: {  	[tilespmem:s26+$0x4190] =	vst v0  }
0x1a: {  	[tilespmem:s26+$0x41A0] =	vst v0  }
0x1b: {  	s25 =	sadd.s32 $0x100, s25;
	[tilespmem:s26+$0x41B0] =	vst v0  }
0x1c: {  	s25 =	simm.s32 $0x40;
	s26 =	simm.s32 $0x0  }
.LBB2_4:
0x1d: {  	p2 =	sne.s32 s25, $0x9DC0;
	[tilespmem:s26+$0x6180] =	vst v0;
	s26 =	smov.u32 s25;
	s25 =	sadd.s32 $0x40, s25  }
.Ltmp1:
0x1e: {  	(pc) =	sbr.rel @p2 .LBB2_4-.Ltmp1, $2  }
0x1f: {  	_ =	sdelay $0x2  }
0x20: {  	s26 =	sshra.s32 s26, $0x2  }
0x21: {  	[tilespmem:s26+$0x6180] =	vst v0  }
0x22: {  	[spmem:s5] =	stream.linear.scatter [tilespmem:s16], [sflag:$0x3], $0x2000, $0x38;
	[tilespmem:$0x12B00] =	vst v63  }
0x23: {  	_ =	swait.ge [sflag:s17], $0x2000  }
0x24: {  	[sflag:s17] =	ssyncset.done $0x0  }
0x25: {  	[sflag:s17] =	ssyncadd.s32 $0xFFFFE000  }
0x26: {  	[spmem:s6] =	stream.linear.scatter [tilespmem:s16], [sflag:$0x3], $0x2000, $0x38;
	[tilespmem:$0x12B00] =	vst v63  }
0x27: {  	_ =	swait.ge [sflag:s17], $0x2000  }
0x28: {  	[sflag:s17] =	ssyncset.done $0x0  }
0x29: {  	[sflag:s17] =	ssyncadd.s32 $0xFFFFE000  }
0x2a: {  	[spmem:s7] =	stream.linear.scatter [tilespmem:s16], [sflag:$0x3], $0x2000, $0x38;
	[tilespmem:$0x12B00] =	vst v63  }
0x2b: {  	_ =	swait.ge [sflag:s17], $0x2000  }
0x2c: {  	[sflag:s17] =	ssyncset.done $0x0  }
0x2d: {  	[sflag:s17] =	ssyncadd.s32 $0xFFFFE000  }
0x2e: {  	[spmem:s8] =	stream.linear.scatter [tilespmem:s16], [sflag:$0x3], $0x2000, $0x38;
	[tilespmem:$0x12B00] =	vst v63  }
0x2f: {  	_ =	swait.ge [sflag:s17], $0x2000  }
0x30: {  	[sflag:s17] =	ssyncset.done $0x0  }
0x31: {  	[sflag:s17] =	ssyncadd.s32 $0xFFFFE000  }
0x32: {  	[spmem:s9] =	stream.linear.scatter [tilespmem:s16], [sflag:$0x3], $0x1E00, $0x38;
	[tilespmem:$0x12B00] =	vst v63  }
0x33: {  	_ =	swait.ge [sflag:s17], $0x1E00  }
0x34: {  	[sflag:s17] =	ssyncset.done $0x0  }
0x35: {  	s25 =	sshrl.u32 @!p0 s2, $0x3;
	s26 =	simm.s32 @!p0 $0x1C03;
	[sflag:s17] =	ssyncadd.s32 $0xFFFFE200  }
0x36: {  	[spmem:s25], [sflag:s26] =	dma.local @!p0 [hbm:s10], $0x800  }
0x37: {  	s25 =	simm.s32 @!p0 $0x3  }
0x38: {  	_ =	swait.ge @!p0 [sflag:s25], $0x800  }
0x39: {  	[sflag:s25] =	ssyncset.done @!p0 $0x0  }
0x3a: {  	[sflag:s25] =	ssyncadd.s32 @!p0 $0xFFFFF800  }
0x3b: {  	s25 =	simm.s32 $0x0;
	[bflag:$0x0] =	sbarrier.arrive $0xFFFF  }
.LBB2_6:
0x3c: {  	s26 =	sadd.s32 s25, s11  }
0x3d: {  	[tilespmem:s4], [sflag:$0x3] =	stream.linear.gather [hbm4b:s26+s4], $0x180, $0x38;
	[tilespmem:$0x12B00] =	vst v63  }
0x3e: {  	_ =	swait.ge [sflag:s17], $0x180  }
0x3f: {  	[sflag:s17] =	ssyncset.done $0x0  }
0x40: {  	[sflag:s17] =	ssyncadd.s32 $0xFFFFFE80  }
0x41: {  	[tilespmem:s19], [sflag:$0x1] =	stream.indirect.gather [hbm4b:s12+s18], $0x40, s4, s18, $0xb8;
	[tilespmem:$0x12B00] =	vst v63  }
0x42: {  	_ = 	snop  }
0x43: {  	[tilespmem:s21], [sflag:$0x2] =	stream.indirect.gather [spmem:s2], $0x40, s20, s18, $0xb8;
	[tilespmem:$0x12B00] =	vst v63  }
0x44: {  	_ =	swait.ge [sflag:s22], $0x2000  }
0x45: {  	[sflag:s22] =	ssyncset.done $0x0  }
0x46: {  	[sflag:s22] =	ssyncadd.s32 $0xFFFFE000  }
0x47: {  	_ =	swait.ge [sflag:s23], $0x2000  }
0x48: {  	[sflag:s23] =	ssyncset.done $0x0  }
0x49: {  	[sflag:s23] =	ssyncadd.s32 $0xFFFFE000  }
0x4a: {  	[spmem:s1] =	stream.indirect.scatter.add.f32 [tilespmem:s19], [sflag:$0x3], $0x40, s18, s18, $0xb8;
	[tilespmem:$0x12B00] =	vst v63  }
0x4b: {  	_ =	swait.ge [sflag:s17], $0x2000  }
0x4c: {  	[sflag:s17] =	ssyncset.done $0x0  }
0x4d: {  	[sflag:s17] =	ssyncadd.s32 $0xFFFFE000  }
0x4e: {  	[spmem:s1] =	stream.indirect.scatter.add.f32 [tilespmem:s21], [sflag:$0x3], $0x40, s18, s18, $0xb8;
	[tilespmem:$0x12B00] =	vst v63  }
0x4f: {  	_ =	swait.ge [sflag:s17], $0x2000  }
0x50: {  	[sflag:s17] =	ssyncset.done $0x0  }
0x51: {  	[sflag:s17] =	ssyncadd.s32 $0xFFFFE000  }
0x52: {  	v1 =	vld @!p1 [tilespmem:$0x80];
	_ =	sdelay $0x6  }
0x53: {  	v2 =	vimm.f32 @!p1 $1.000000000e+00;
	s26 =	simm.s32 @!p1 $0x6180  }
0x54: {  	[tilespmem:v1+s26+$0x0] =	vst.idx.add.f32.msk @!p1 $0xffff, v2  }
0x55: {  	v1 =	vld @!p1 [tilespmem:$0x90];
	_ =	sdelay $0x7  }
0x56: {  	[tilespmem:v1+s26+$0x0] =	vst.idx.add.f32.msk @!p1 $0xffff, v2  }
0x57: {  	v1 =	vld @!p1 [tilespmem:$0xA0];
	_ =	sdelay $0x7  }
0x58: {  	[tilespmem:v1+s26+$0x0] =	vst.idx.add.f32.msk @!p1 $0xffff, v2  }
0x59: {  	v1 =	vld @!p1 [tilespmem:$0xB0];
	_ =	sdelay $0x7  }
0x5a: {  	[tilespmem:v1+s26+$0x0] =	vst.idx.add.f32.msk @!p1 $0xffff, v2  }
0x5b: {  	v1 =	vld @!p1 [tilespmem:$0xC0];
	_ =	sdelay $0x7  }
0x5c: {  	[tilespmem:v1+s26+$0x0] =	vst.idx.add.f32.msk @!p1 $0xffff, v2  }
0x5d: {  	v1 =	vld @!p1 [tilespmem:$0xD0];
	_ =	sdelay $0x7  }
0x5e: {  	[tilespmem:v1+s26+$0x0] =	vst.idx.add.f32.msk @!p1 $0xffff, v2  }
0x5f: {  	v1 =	vld @!p1 [tilespmem:$0xE0];
	_ =	sdelay $0x7  }
0x60: {  	[tilespmem:v1+s26+$0x0] =	vst.idx.add.f32.msk @!p1 $0xffff, v2  }
0x61: {  	v1 =	vld @!p1 [tilespmem:$0xF0];
	_ =	sdelay $0x1  }
0x62: {  	s25 =	sadd.s32 $0x30, s25  }
0x63: {  	p2 =	sne.s32 s25, $0x1DA0  }
.Ltmp2:
0x64: {  	_ = 	snop;
	(pc) =	sbr.rel @p2 .LBB2_6-.Ltmp2, $2  }
0x65: {  	_ =	sdelay $0x2  }
0x66: {  	[tilespmem:v1+s26+$0x0] =	vst.idx.add.f32.msk @!p1 $0xffff, v2  }
0x67: {  	s25 =	sshll.u32 s3, $0x6  }
0x68: {  	[bflag:$0x0] =	sbarrier.arrive $0xFFFF;
	s28 =	sshrl.u32 s5, $0x3;
	s25 =	sor.u32 $0x1C03, s25  }
0x69: {  	[hbm:s13], [sflag:s25] =	dma.local [spmem:s28], $0x13C0  }
0x6a: {  	_ =	swait.ge [sflag:s17], $0x13C0  }
0x6b: {  	s24 =	sadd.s32 $0x1, s24;
	[sflag:s17] =	ssyncset.done $0x0  }
0x6c: {  	p2 =	sne.s32 s24, s15;
	s25 =	simm.s32 @!p1 $0x0;
	[sflag:s17] =	ssyncadd.s32 $0xFFFFEC40  }
0x6d: {  	[hbm4b:s14+s25] =	stream.linear.scatter @!p1 [tilespmem:s26], [sflag:$0x3], $0x2780, $0x38;
	[tilespmem:$0x12B00] =	vst v63  }
.Ltmp3:
0x6e: {  	_ = 	snop;
	(pc) =	sbr.rel @p2 .LBB2_1-.Ltmp3, $4  }
0x6f: {  	s25 =	simm.s32 @!p1 $0x3  }
0x70: {  	_ =	swait.ge @!p1 [sflag:s25], $0x2780  }
0x71: {  	[sflag:s25] =	ssyncset.done @!p1 $0x0  }
0x72: {  	[sflag:s25] =	ssyncadd.s32 @!p1 $0xFFFFD880  }
0x73: {  	_ =	sfence.sel $0x180000  }
0x74: {  	[bflag:$0x0] =	sbarrier.arrive $0xFFFF  }
0x75: {  	_ =	strace $0x9000004A  }
0x76: {  	s0 =	sadd.s32 @!p0 $0x100000, s0;
	[bflag:$0x2] =	sbarrier.arrive $0xFFFF  }
0x77: {  	[sflag:s0] =	ssyncadd.tile.s32 @!p0 $0x1;
	_ =	shalt  }
.Lfunc_end2:
_tile_overlayer_lowered:
.L_overlay_start_2:
0x78: {  	(tag) =	ssettag $0x2  }
0x79: {  	s0 =	rddreg [dreg:$0x0];
	s2 =	stileid.u32  }
0x7a: {  	s1 =	rddreg [dreg:$0x1];
	p0 =	sne.s32 s2, $0x0  }
0x7b: {  	s3 =	rddreg [dreg:$0x2];
	[bflag:$0x3] =	sbarrier.arrive $0xFFFF;
	s2 =	simm.s32 @!p0 $0x1C03  }
0x7c: {  	[timem:s3], [sflag:s2] =	dma.local @!p0 [hbm:s0], s1  }
0x7d: {  	s0 =	simm.s32 @!p0 $0x3  }
0x7e: {  	_ =	swait.ge @!p0 [sflag:s0], s1  }
0x7f: {  	s1 =	ssub.s32 @!p0 $0x0, s1;
	[sflag:s0] =	ssyncset.done @!p0 $0x0  }
0x80: {  	[sflag:s0] =	ssyncadd.s32 @!p0 s1  }
0x81: {  	[bflag:$0x3] =	sbarrier.arrive $0xFFFF  }
0x82: {  	_ =	shalt  }

// kernel: kernel.7.cloned.1.call-start
scs
__scs_entry_jumppad:
0x0: {  	(pc) =	sbr.rel $0x88, $3  }
0x1: {  	(tag) =	ssettag $0x0;
	lr =	simm.s32 $0x1  }
0x2: {  	[smem:$0x3F8C] =	sst lr;
	_ =	strace $0xD0000000  }
0x3: {  	_ = 	snop  }
0x4: {  	_ = 	snop  }
0x5: {  	_ = 	snop  }
0x6: {  	_ = 	snop  }
0x7: {  	_ = 	snop  }
__scs_overlays_trampoline_lowered:
0x8: {  	[smem:$0x3F9B] =	sst s0  }
0x9: {  	[smem:$0x3F9C] =	sst s1  }
0xa: {  	[smem:$0x3F9D] =	sst s2  }
0xb: {  	[smem:$0x3F9E] =	sst s3  }
0xc: {  	[smem:$0x3F9F] =	sst s4  }
0xd: {  	[smem:$0x3FA0] =	sst s5  }
0xe: {  	[smem:$0x3FA1] =	sst s6  }
0xf: {  	[smem:$0x3FA2] =	sst s7  }
0x10: {  	[smem:$0x3FA3] =	sst s8  }
0x11: {  	[smem:$0x3FA4] =	sst s9;
	s0 =	simm.s32 @!p0 $0x0  }
0x12: {  	s1 =	sld [smem:$0x3F8A];
	s0 =	simm.s32 @p0 $0x1  }
0x13: {  	[smem:$0x3FA5] =	sst s0;
	s0 =	simm.s32 @!p1 $0x0  }
0x14: {  	s2 =	sld [smem:$0x3F89];
	s0 =	simm.s32 @p1 $0x1  }
0x15: {  	[smem:$0x3FA6] =	sst s0;
	s0 =	simm.s32 @!p2 $0x0  }
0x16: {  	s3 =	sld [smem:$0x3FDB];
	s0 =	simm.s32 @p2 $0x1  }
0x17: {  	s4 =	simm.s32 $0x1BF5;
	[smem:$0x3FA8] =	sst s0  }
0x18: {  	s0 =	sld [smem:$0x3F8B];
	_ =	swait.ge [sflag:s4], $0x0  }
0x19: {  	s7 =	sld [smem:$0x3F8C]  }
0x1a: {  	s8 =	sadd.s32 $0xFFFFE003, lr  }
0x1b: {  	s9 =	sadd.s32 $0xFFFFFEF7, lr;
	s5 =	simm.s32 $0xFFFFFFFF;
	p2 =	slt.u32 s8, $0xFFFFF086  }
0x1c: {  	p1 =	slt.u32 s9, $0xF7A;
	s5 =	simm.s32 @!p2 $0x0  }
0x1d: {  	s5 =	simm.s32 @p1 $0x1;
	p0 =	seq.s32 s7, s2  }
0x1e: {  	s7 =	smul.u32 @!p0 $0xF7A, s2;
	p2 =	seq.s32 @!p0 s5, $0x0  }
0x1f: {  	s9 =	smul.u32 $0xF7A, s1;
	s8 =	simm.s32 @!p0 $0x1BF5;
	p2 =	por !p2, p0  }
0x20: {  	[sflag:s8] =	ssyncset.s32 @!p0 $0xFFFFF086;
	s6 =	sadd.s32 @!p0 s3, s7;
	s7 =	simm.s32 @!p0 $0x108  }
0x21: {  	s3 =	sadd.s32 s3, s9;
	s6 =	sadd.s32 @!p0 $0x88, s6;
	s7 =	simm.s32 @p2 $0x1082  }
0x22: {  	[simem:s7], [sflag:s8] =	dma.local @!p0 [hbm:s6], $0xF7A  }
0x23: {  	s9 =	sor.u32 $0xD0000000, s2;
	s6 =	simm.s32 $0x108;
	_ =	swait.ge @!p0 [sflag:s8], $0x0  }
0x24: {  	s3 =	sadd.s32 $0x88, s3;
	s6 =	simm.s32 @!p1 $0x1082;
	[sflag:s4] =	ssyncset.s32 $0xFFFFF086  }
0x25: {  	[simem:s6], [sflag:s4] =	dma.local [hbm:s3], $0xF7A  }
0x26: {  	[smem:$0x3F8C] =	sst s1;
	(tag) =	ssettag s2;
	_ =	strace s9  }
0x27: {  	s1 =	sld [smem:$0x3F9C]  }
0x28: {  	s2 =	sld [smem:$0x3F9D]  }
0x29: {  	s4 =	sld [smem:$0x3F9F]  }
0x2a: {  	p0 =	seq.s32 s5, $0x0;
	s5 =	sld [smem:$0x3FA0]  }
0x2b: {  	s6 =	sld [smem:$0x3FA1]  }
0x2c: {  	s7 =	sld [smem:$0x3FA2]  }
0x2d: {  	s3 =	simm.s32 $0x108;
	s8 =	sld [smem:$0x3FA3]  }
0x2e: {  	s3 =	simm.s32 @!p0 $0x1082;
	s9 =	sld [smem:$0x3FA4]  }
0x2f: {  	lr =	sadd.s32 s0, s3;
	s0 =	sld [smem:$0x3F9B]  }
0x30: {  	s3 =	sld [smem:$0x3F9E]  }
0x31: {  	[smem:$0x3FA7] =	sst s10  }
0x32: {  	s10 =	sld [smem:$0x3FA5];
	_ =	sdelay $0x3  }
0x33: {  	p0 =	seq.s32 s10, $0x1;
	s10 =	sld [smem:$0x3FA7];
	_ =	sdelay $0x3  }
0x34: {  	[smem:$0x3FA7] =	sst s10  }
0x35: {  	s10 =	sld [smem:$0x3FA6];
	_ =	sdelay $0x3  }
0x36: {  	p1 =	seq.s32 s10, $0x1;
	s10 =	sld [smem:$0x3FA7];
	_ =	sdelay $0x3  }
0x37: {  	[smem:$0x3FA7] =	sst s10  }
0x38: {  	s10 =	sld [smem:$0x3FA8]  }
0x39: {  	_ = 	snop;
	(pc) =	sbr.ind lr, $3  }
0x3a: {  	_ = 	snop  }
0x3b: {  	_ = 	snop  }
0x3c: {  	p2 =	seq.s32 s10, $0x1;
	s10 =	sld [smem:$0x3FA7]  }
0x3d: {  	_ =	shalt  }
0x3e: {  	_ =	shalt  }
0x3f: {  	_ =	shalt  }
0x40: {  	_ =	shalt  }
0x41: {  	_ =	shalt  }
0x42: {  	_ =	shalt  }
0x43: {  	_ =	shalt  }
0x44: {  	_ =	shalt  }
0x45: {  	_ =	shalt  }
0x46: {  	_ =	shalt  }
0x47: {  	_ =	shalt  }
0x48: {  	_ =	shalt  }
0x49: {  	_ =	shalt  }
0x4a: {  	_ =	shalt  }
0x4b: {  	_ =	shalt  }
0x4c: {  	_ =	shalt  }
0x4d: {  	_ =	shalt  }
0x4e: {  	_ =	shalt  }
0x4f: {  	_ =	shalt  }
0x50: {  	_ =	shalt  }
0x51: {  	_ =	shalt  }
0x52: {  	_ =	shalt  }
0x53: {  	_ =	shalt  }
0x54: {  	_ =	shalt  }
0x55: {  	_ =	shalt  }
0x56: {  	_ =	shalt  }
0x57: {  	_ =	shalt  }
0x58: {  	_ =	shalt  }
0x59: {  	_ =	shalt  }
0x5a: {  	_ =	shalt  }
0x5b: {  	_ =	shalt  }
0x5c: {  	_ =	shalt  }
0x5d: {  	_ =	shalt  }
0x5e: {  	_ =	shalt  }
0x5f: {  	_ =	shalt  }
0x60: {  	_ =	shalt  }
0x61: {  	_ =	shalt  }
0x62: {  	_ =	shalt  }
0x63: {  	_ =	shalt  }
0x64: {  	_ =	shalt  }
0x65: {  	_ =	shalt  }
0x66: {  	_ =	shalt  }
0x67: {  	_ =	shalt  }
0x68: {  	_ =	shalt  }
0x69: {  	_ =	shalt  }
0x6a: {  	_ =	shalt  }
0x6b: {  	_ =	shalt  }
0x6c: {  	_ =	shalt  }
0x6d: {  	_ =	shalt  }
0x6e: {  	_ =	shalt  }
0x6f: {  	_ =	shalt  }
0x70: {  	_ =	shalt  }
0x71: {  	_ =	shalt  }
0x72: {  	_ =	shalt  }
0x73: {  	_ =	shalt  }
0x74: {  	_ =	shalt  }
0x75: {  	_ =	shalt  }
0x76: {  	_ =	shalt  }
0x77: {  	_ =	shalt  }
0x78: {  	_ =	shalt  }
0x79: {  	_ =	shalt  }
0x7a: {  	_ =	shalt  }
0x7b: {  	_ =	shalt  }
0x7c: {  	_ =	shalt  }
0x7d: {  	_ =	shalt  }
0x7e: {  	_ =	shalt  }
0x7f: {  	_ =	shalt  }
0x80: {  	_ =	shalt  }
0x81: {  	_ =	shalt  }
0x82: {  	_ =	shalt  }
0x83: {  	_ =	shalt  }
0x84: {  	_ =	shalt  }
0x85: {  	_ =	shalt  }
0x86: {  	_ =	shalt  }
0x87: {  	_ =	shalt  }
.Lfunc_end0:
.L_simem_size_0:
called_computation_lowered:
.L_overlay_start_0:
0x88: {  	s2 =	sld [smem:$0x3FD9]  }
0x89: {  	s3 =	sld [smem:$0x3FFE];
	_ =	sdelay $0x1  }
0x8a: {  	s1 =	srdreg.scid  }
0x8b: {  	s0 =	sand.u32 $0x1, s1  }
0x8c: {  	s14 =	sshll.u32 s0, $0xA;
	s2 =	sadd.s32 s3, s2  }
0x8d: {  	s2 =	sadd.s32 s2, s14  }
0x8e: {  	[smem:$0x3FB3] =	sst s2  }
0x8f: {  	_ = 	snop  }
0x90: {  	s2 =	sld [smem:$0x3FD0];
	_ =	sdelay $0x2  }
0x91: {  	s15 =	simm.s32 $0xA;
	s4 =	simm.s32 $0x10  }
0x92: {  	[smem:s4], [sflag:s15] =	dma.local [hbm:s2], $0x1  }
0x93: {  	_ =	swait.eq [sflag:s15], $0x1  }
0x94: {  	[sflag:s15] =	ssyncset.done $0x0  }
0x95: {  	[sflag:s15] =	ssyncadd.s32 $0xFFFFFFFF  }
0x96: {  	s16 =	sld [smem:$0x10];
	(tm) =	ssettm $0x1  }
0x97: {  	s17 =	sld [smem:$0x3FFB];
	_ =	sdelay $0x3  }
0x98: {  	_ =	strace s17  }
0x99: {  	s3 =	sld [smem:$0x3FFC];
	_ =	sdelay $0x3  }
0x9a: {  	_ =	strace s3  }
0x9b: {  	s3 =	sld [smem:$0x3FFD];
	_ =	sdelay $0x3  }
0x9c: {  	_ =	strace s3  }
0x9d: {  	_ =	strace $0x8FFFFFFF  }
0x9e: {  	s18 =	sld [smem:$0x3FDB];
	_ =	sdelay $0x1  }
0x9f: {  	s19 =	simm.s32 $_scs_section_size  }
0xa0: {  	s5 =	simm.s32 $_size__tile_overlayer_lowered;
	s6 =	simm.s32 $_tile_overlayer_lowered  }
0xa1: {  	s22 =	simm.s32 $0x1BFF;
	s21 =	sshll.u32 s6, $0x1;
	s3 =	sadd.s32 s19, s18  }
0xa2: {  	s7 =	simm.s32 $0x0;
	s20 =	sshll.u32 s5, $0x1;
	s5 =	sadd.s32 s21, s3  }
0xa3: {  	[timem:s7], [sflag:s22] =	dma.local [hbm:s5], s20  }
0xa4: {  	_ =	swait.ge [sflag:s22], s20  }
0xa5: {  	s4 =	ssub.s32 $0x0, s20;
	[sflag:s22] =	ssyncset.done $0x0  }
0xa6: {  	[sflag:s22] =	ssyncadd.s32 s4;
	_ =	sdelay $0x1  }
0xa7: {  	s23 =	simm.s32 $0x1B8B  }
0xa8: {  	_ =	swait.ge [sflag:s23], $0x1  }
0xa9: {  	[sflag:s23] =	ssyncset.done $0x0  }
0xaa: {  	s25 =	simm.s32 $0x1B8E;
	s24 =	sld [smem:$0x3FFE];
	[sflag:s23] =	ssyncadd.s32 $0xFFFFFFFF  }
0xab: {  	s26 =	simm.s32 $execute0_lowered;
	[smem:$0x3FD2] =	sst s25  }
0xac: {  	s5 =	sshll.u32 s26, $0x1;
	_ =	strace $0x80000046;
	[dreg:$0x1] =	wrdreg $0xFFFFFFFF  }
0xad: {  	s28 =	simm.s32 $_size_execute0_lowered;
	s3 =	sadd.s32 s3, s5;
	[dreg:$0x0] =	wrdreg $0x0  }
0xae: {  	s5 =	sshll.u32 s28, $0x1;
	[dreg:$0x2] =	wrdreg s3  }
0xaf: {  	[dreg:$0x3] =	wrdreg s5  }
0xb0: {  	[dreg:$0x4] =	wrdreg $0xC0  }
0xb1: {  	_ =	task [dreg:s7], $0x5FFFF  }
0xb2: {  	[dreg:$0x1] =	wrdreg $0xFFFFFFFF  }
0xb3: {  	[dreg:$0x0] =	wrdreg $0x60  }
0xb4: {  	[dreg:$0x2] =	wrdreg s16  }
0xb5: {  	[dreg:$0x3] =	wrdreg s24  }
0xb6: {  	[dreg:$0x4] =	wrdreg $0x89000  }
0xb7: {  	[dreg:$0x5] =	wrdreg $0x127000  }
0xb8: {  	[dreg:$0x6] =	wrdreg $0x9  }
0xb9: {  	_ =	task.clear_ibuf [dreg:s7], $0x7FFFF;
	_ =	strace $0x90000046  }
0xba: {  	s29 =	simm.s32 $0x9;
	_ =	strace $0x80000048  }
0xbb: {  	_ =	swait.ge [sflag:s29], $0x1  }
0xbc: {  	[sflag:s29] =	ssyncadd.s32 $0xFFFFFFFF  }
0xbd: {  	_ =	strace $0x90000048  }
0xbe: {  	_ =	sfence  }
0xbf: {  	s30 =	sld [smem:$0x0];
	_ =	sdelay $0x2  }
0xc0: {  	s31 =	sshll.u32 s1, $0xD;
	s1 =	sshrl.u32 s1, $0x2  }
0xc1: {  	s3 =	sand.u32 $0x4000, s31;
	s1 =	sadd.s32 s1, s30  }
0xc2: {  	s0 =	sor.u32 s3, s0;
	s1 =	sshll.u32 s1, $0x11  }
0xc3: {  	s0 =	sor.u32 s1, s0  }
0xc4: {  	s0 =	sadd.s32 $0x8F2B, s0  }
0xc5: {  	[sflag:s0] =	ssyncadd.remote.s32 $0x1  }
0xc6: {  	_ =	sfence.sel $0xFFFF  }
0xc7: {  	[dreg:$0x0] =	wrdreg $0xFFFFFFFF;
	(pc) =	sbr.abs _section_cstart, $3  }
0xc8: {  	[dreg:$0x1] =	wrdreg $0xFFFFFFFF  }
0xc9: {  	_ =	task.clear_ibuf [dreg:s7], $0x2FFFF;
	_ =	strace $0x9FFFFFFF  }
0xca: {  	(tm) =	ssettm $0x7FFFFFFF  }
0xcb: {  	_ =	shalt  }
tec
execute0_lowered:
.L_overlay_start_1:
0x0: {  	(tag) =	ssettag $0x1  }
0x1: {  	s12 =	rddreg [dreg:$0x0]  }
0x2: {  	s5 =	rddreg [dreg:$0x1]  }
0x3: {  	s1 =	rddreg [dreg:$0x2]  }
0x4: {  	s2 =	rddreg [dreg:$0x3]  }
0x5: {  	s0 =	rddreg [dreg:$0x4];
	s6 =	srdreg.scid  }
0x6: {  	s3 =	stileid.u32;
	s4 =	simm.s32 $0x0;
	s17 =	simm.s32 $0x3  }
0x7: {  	s19 =	simm.s32 $0x180;
	s20 =	simm.s32 $0x100;
	s25 =	smul.u32 $0x9E00, s3  }
0x8: {  	s21 =	simm.s32 $0x2180;
	s22 =	simm.s32 $0x1;
	s9 =	smul.u32 $0x1DA0, s3  }
0x9: {  	s23 =	simm.s32 $0x2;
	s24 =	simm.s32 $0x0;
	s26 =	smul.u32 $0x27800, s3  }
0xa: {  	s18 =	sand.u32 $0x1, s6;
	[smem:$0x7FF] =	sst s4;
	s28 =	smul.u32 $0x4F0, s3  }
0xb: {  	p0 =	sne.s32 s3, $0x0;
	s7 =	smul.u32 $0x9E000, s18;
	_ =	strace $0x80000047  }
0xc: {  	s8 =	sshll.u32 s18, $0xB;
	s29 =	ssub.s32 $0x2, s18;
	s16 =	smul.u32 $0x13880, s18  }
0xd: {  	p1 =	sne.s32 s18, $0x0;
	s18 =	simm.s32 $0x80;
	s10 =	sadd.s32 s8, s5  }
0xe: {  	s11 =	sadd.s32 s9, s5;
	s8 =	sshrl.u32 s26, $0x2;
	s14 =	sadd.s32 s28, s5  }
0xf: {  	s30 =	sshrl.u32 s29, $0x1;
	s7 =	sadd.s32 s25, s7;
	s31 =	sadd.s32 s8, s1  }
0x10: {  	s15 =	ssub.s32 s29, s30;
	s10 =	sadd.s32 $0x3E00, s10;
	s11 =	sadd.s32 $0x4E00, s11  }
0x11: {  	s12 =	sadd.s32 s12, s16;
	s14 =	sadd.s32 $0x22800, s14;
	s16 =	simm.s32 $0x4180  }
0x12: {  	s7 =	sshrl.u32 s7, $0x3;
	s6 =	sadd.s32 $0x2000, s31;
	s8 =	sadd.s32 $0x6000, s31  }
0x13: {  	s9 =	sadd.s32 $0x8000, s31;
	s15 =	smax.u32 s15, $0x1;
	s13 =	sadd.s32 s7, s5  }
0x14: {  	v0 =	vimm.f32 $0.0e+00;
	s5 =	sadd.s32 s25, s1;
	s7 =	sadd.s32 $0x4000, s31;
	s13 =	sadd.s32 $0x27800, s13  }
.LBB2_1:
0x15: {  	s25 =	simm.s32 $0x0  }
.LBB2_2:
0x16: {  	p2 =	sne.s32 s25, $0x7F00  }
.Ltmp0:
0x17: {  	s26 =	sshra.s32 s25, $0x2;
	(pc) =	sbr.rel @p2 .LBB2_2-.Ltmp0, $4  }
0x18: {  	[tilespmem:s26+$0x4180] =	vst v0  }
0x19: {  	[tilespmem:s26+$0x4190] =	vst v0  }
0x1a: {  	[tilespmem:s26+$0x41A0] =	vst v0  }
0x1b: {  	s25 =	sadd.s32 $0x100, s25;
	[tilespmem:s26+$0x41B0] =	vst v0  }
0x1c: {  	s25 =	simm.s32 $0x40;
	s26 =	simm.s32 $0x0  }
.LBB2_4:
0x1d: {  	p2 =	sne.s32 s25, $0x9DC0;
	[tilespmem:s26+$0x6180] =	vst v0;
	s26 =	smov.u32 s25;
	s25 =	sadd.s32 $0x40, s25  }
.Ltmp1:
0x1e: {  	(pc) =	sbr.rel @p2 .LBB2_4-.Ltmp1, $2  }
0x1f: {  	_ =	sdelay $0x2  }
0x20: {  	s26 =	sshra.s32 s26, $0x2  }
0x21: {  	[tilespmem:s26+$0x6180] =	vst v0  }
0x22: {  	[spmem:s5] =	stream.linear.scatter [tilespmem:s16], [sflag:$0x3], $0x2000, $0x38;
	[tilespmem:$0x12B00] =	vst v63  }
0x23: {  	_ =	swait.ge [sflag:s17], $0x2000  }
0x24: {  	[sflag:s17] =	ssyncset.done $0x0  }
0x25: {  	[sflag:s17] =	ssyncadd.s32 $0xFFFFE000  }
0x26: {  	[spmem:s6] =	stream.linear.scatter [tilespmem:s16], [sflag:$0x3], $0x2000, $0x38;
	[tilespmem:$0x12B00] =	vst v63  }
0x27: {  	_ =	swait.ge [sflag:s17], $0x2000  }
0x28: {  	[sflag:s17] =	ssyncset.done $0x0  }
0x29: {  	[sflag:s17] =	ssyncadd.s32 $0xFFFFE000  }
0x2a: {  	[spmem:s7] =	stream.linear.scatter [tilespmem:s16], [sflag:$0x3], $0x2000, $0x38;
	[tilespmem:$0x12B00] =	vst v63  }
0x2b: {  	_ =	swait.ge [sflag:s17], $0x2000  }
0x2c: {  	[sflag:s17] =	ssyncset.done $0x0  }
0x2d: {  	[sflag:s17] =	ssyncadd.s32 $0xFFFFE000  }
0x2e: {  	[spmem:s8] =	stream.linear.scatter [tilespmem:s16], [sflag:$0x3], $0x2000, $0x38;
	[tilespmem:$0x12B00] =	vst v63  }
0x2f: {  	_ =	swait.ge [sflag:s17], $0x2000  }
0x30: {  	[sflag:s17] =	ssyncset.done $0x0  }
0x31: {  	[sflag:s17] =	ssyncadd.s32 $0xFFFFE000  }
0x32: {  	[spmem:s9] =	stream.linear.scatter [tilespmem:s16], [sflag:$0x3], $0x1E00, $0x38;
	[tilespmem:$0x12B00] =	vst v63  }
0x33: {  	_ =	swait.ge [sflag:s17], $0x1E00  }
0x34: {  	[sflag:s17] =	ssyncset.done $0x0  }
0x35: {  	s25 =	sshrl.u32 @!p0 s2, $0x3;
	s26 =	simm.s32 @!p0 $0x1C03;
	[sflag:s17] =	ssyncadd.s32 $0xFFFFE200  }
0x36: {  	[spmem:s25], [sflag:s26] =	dma.local @!p0 [hbm:s10], $0x800  }
0x37: {  	s25 =	simm.s32 @!p0 $0x3  }
0x38: {  	_ =	swait.ge @!p0 [sflag:s25], $0x800  }
0x39: {  	[sflag:s25] =	ssyncset.done @!p0 $0x0  }
0x3a: {  	[sflag:s25] =	ssyncadd.s32 @!p0 $0xFFFFF800  }
0x3b: {  	s25 =	simm.s32 $0x0;
	[bflag:$0x0] =	sbarrier.arrive $0xFFFF  }
.LBB2_6:
0x3c: {  	s26 =	sadd.s32 s25, s11  }
0x3d: {  	[tilespmem:s4], [sflag:$0x3] =	stream.linear.gather [hbm4b:s26+s4], $0x180, $0x38;
	[tilespmem:$0x12B00] =	vst v63  }
0x3e: {  	_ =	swait.ge [sflag:s17], $0x180  }
0x3f: {  	[sflag:s17] =	ssyncset.done $0x0  }
0x40: {  	[sflag:s17] =	ssyncadd.s32 $0xFFFFFE80  }
0x41: {  	[tilespmem:s19], [sflag:$0x1] =	stream.indirect.gather [hbm4b:s12+s18], $0x40, s4, s18, $0xb8;
	[tilespmem:$0x12B00] =	vst v63  }
0x42: {  	_ = 	snop  }
0x43: {  	[tilespmem:s21], [sflag:$0x2] =	stream.indirect.gather [spmem:s2], $0x40, s20, s18, $0xb8;
	[tilespmem:$0x12B00] =	vst v63  }
0x44: {  	_ =	swait.ge [sflag:s22], $0x2000  }
0x45: {  	[sflag:s22] =	ssyncset.done $0x0  }
0x46: {  	[sflag:s22] =	ssyncadd.s32 $0xFFFFE000  }
0x47: {  	_ =	swait.ge [sflag:s23], $0x2000  }
0x48: {  	[sflag:s23] =	ssyncset.done $0x0  }
0x49: {  	[sflag:s23] =	ssyncadd.s32 $0xFFFFE000  }
0x4a: {  	[spmem:s1] =	stream.indirect.scatter.add.f32 [tilespmem:s19], [sflag:$0x3], $0x40, s18, s18, $0xb8;
	[tilespmem:$0x12B00] =	vst v63  }
0x4b: {  	_ =	swait.ge [sflag:s17], $0x2000  }
0x4c: {  	[sflag:s17] =	ssyncset.done $0x0  }
0x4d: {  	[sflag:s17] =	ssyncadd.s32 $0xFFFFE000  }
0x4e: {  	[spmem:s1] =	stream.indirect.scatter.add.f32 [tilespmem:s21], [sflag:$0x3], $0x40, s18, s18, $0xb8;
	[tilespmem:$0x12B00] =	vst v63  }
0x4f: {  	_ =	swait.ge [sflag:s17], $0x2000  }
0x50: {  	[sflag:s17] =	ssyncset.done $0x0  }
0x51: {  	[sflag:s17] =	ssyncadd.s32 $0xFFFFE000  }
0x52: {  	v1 =	vld @!p1 [tilespmem:$0x80];
	_ =	sdelay $0x6  }
0x53: {  	v2 =	vimm.f32 @!p1 $1.000000000e+00;
	s26 =	simm.s32 @!p1 $0x6180  }
0x54: {  	[tilespmem:v1+s26+$0x0] =	vst.idx.add.f32.msk @!p1 $0xffff, v2  }
0x55: {  	v1 =	vld @!p1 [tilespmem:$0x90];
	_ =	sdelay $0x7  }
0x56: {  	[tilespmem:v1+s26+$0x0] =	vst.idx.add.f32.msk @!p1 $0xffff, v2  }
0x57: {  	v1 =	vld @!p1 [tilespmem:$0xA0];
	_ =	sdelay $0x7  }
0x58: {  	[tilespmem:v1+s26+$0x0] =	vst.idx.add.f32.msk @!p1 $0xffff, v2  }
0x59: {  	v1 =	vld @!p1 [tilespmem:$0xB0];
	_ =	sdelay $0x7  }
0x5a: {  	[tilespmem:v1+s26+$0x0] =	vst.idx.add.f32.msk @!p1 $0xffff, v2  }
0x5b: {  	v1 =	vld @!p1 [tilespmem:$0xC0];
	_ =	sdelay $0x7  }
0x5c: {  	[tilespmem:v1+s26+$0x0] =	vst.idx.add.f32.msk @!p1 $0xffff, v2  }
0x5d: {  	v1 =	vld @!p1 [tilespmem:$0xD0];
	_ =	sdelay $0x7  }
0x5e: {  	[tilespmem:v1+s26+$0x0] =	vst.idx.add.f32.msk @!p1 $0xffff, v2  }
0x5f: {  	v1 =	vld @!p1 [tilespmem:$0xE0];
	_ =	sdelay $0x7  }
0x60: {  	[tilespmem:v1+s26+$0x0] =	vst.idx.add.f32.msk @!p1 $0xffff, v2  }
0x61: {  	v1 =	vld @!p1 [tilespmem:$0xF0];
	_ =	sdelay $0x1  }
0x62: {  	s25 =	sadd.s32 $0x30, s25  }
0x63: {  	p2 =	sne.s32 s25, $0x1DA0  }
.Ltmp2:
0x64: {  	_ = 	snop;
	(pc) =	sbr.rel @p2 .LBB2_6-.Ltmp2, $2  }
0x65: {  	_ =	sdelay $0x2  }
0x66: {  	[tilespmem:v1+s26+$0x0] =	vst.idx.add.f32.msk @!p1 $0xffff, v2  }
0x67: {  	s25 =	sshll.u32 s3, $0x6  }
0x68: {  	[bflag:$0x0] =	sbarrier.arrive $0xFFFF;
	s28 =	sshrl.u32 s5, $0x3;
	s25 =	sor.u32 $0x1C03, s25  }
0x69: {  	[hbm:s13], [sflag:s25] =	dma.local [spmem:s28], $0x13C0  }
0x6a: {  	_ =	swait.ge [sflag:s17], $0x13C0  }
0x6b: {  	s24 =	sadd.s32 $0x1, s24;
	[sflag:s17] =	ssyncset.done $0x0  }
0x6c: {  	p2 =	sne.s32 s24, s15;
	s25 =	simm.s32 @!p1 $0x0;
	[sflag:s17] =	ssyncadd.s32 $0xFFFFEC40  }
0x6d: {  	[hbm4b:s14+s25] =	stream.linear.scatter @!p1 [tilespmem:s26], [sflag:$0x3], $0x2780, $0x38;
	[tilespmem:$0x12B00] =	vst v63  }
.Ltmp3:
0x6e: {  	_ = 	snop;
	(pc) =	sbr.rel @p2 .LBB2_1-.Ltmp3, $4  }
0x6f: {  	s25 =	simm.s32 @!p1 $0x3  }
0x70: {  	_ =	swait.ge @!p1 [sflag:s25], $0x2780  }
0x71: {  	[sflag:s25] =	ssyncset.done @!p1 $0x0  }
0x72: {  	[sflag:s25] =	ssyncadd.s32 @!p1 $0xFFFFD880  }
0x73: {  	_ =	sfence.sel $0x180000  }
0x74: {  	[bflag:$0x0] =	sbarrier.arrive $0xFFFF  }
0x75: {  	_ =	strace $0x90000047  }
0x76: {  	s0 =	sadd.s32 @!p0 $0x100000, s0;
	[bflag:$0x2] =	sbarrier.arrive $0xFFFF  }
0x77: {  	[sflag:s0] =	ssyncadd.tile.s32 @!p0 $0x1;
	_ =	shalt  }
.Lfunc_end2:
_tile_overlayer_lowered:
.L_overlay_start_2:
0x78: {  	(tag) =	ssettag $0x2  }
0x79: {  	s0 =	rddreg [dreg:$0x0];
	s2 =	stileid.u32  }
0x7a: {  	s1 =	rddreg [dreg:$0x1];
	p0 =	sne.s32 s2, $0x0  }
0x7b: {  	s3 =	rddreg [dreg:$0x2];
	[bflag:$0x3] =	sbarrier.arrive $0xFFFF;
	s2 =	simm.s32 @!p0 $0x1C03  }
0x7c: {  	[timem:s3], [sflag:s2] =	dma.local @!p0 [hbm:s0], s1  }
0x7d: {  	s0 =	simm.s32 @!p0 $0x3  }
0x7e: {  	_ =	swait.ge @!p0 [sflag:s0], s1  }
0x7f: {  	s1 =	ssub.s32 @!p0 $0x0, s1;
	[sflag:s0] =	ssyncset.done @!p0 $0x0  }
0x80: {  	[sflag:s0] =	ssyncadd.s32 @!p0 s1  }
0x81: {  	[bflag:$0x3] =	sbarrier.arrive $0xFFFF  }
0x82: {  	_ =	shalt  }

</sc_bundles>
